<compile_context>
chip_gen: v7x
topology: tpu7x:2x2x1
jax: 0.10.2.dev20260603
libtpu: 0.0.44.dev20260713+nightly
codegen_flags: <defaults>
</compile_context>

<pallas_src>
import functools

import jax
import jax.numpy as jnp
from jax import lax
from jax.experimental import pallas as pl
from jax.experimental.pallas import tpu as pltpu
from jax.experimental.pallas import tpu_sc as plsc

N = 10000
D = 128
E = 320000

NC = 2
NS = 16
NW = NC * NS
CHUNK = 128
N_CHUNKS = 80
EPW = N_CHUNKS * CHUNK
E_PAD = NW * EPW
N_PAD = 10112
ROWS_PW = N_PAD // NS

_mesh = plsc.VectorSubcoreMesh(
    core_axis_name="c", subcore_axis_name="s", num_cores=NC, num_subcores=NS
)


@functools.partial(
    pl.kernel,
    out_type=jax.ShapeDtypeStruct((NC, N_PAD, D), jnp.float32),
    mesh=_mesh,
    scratch_types=[
        pltpu.VMEM((N_CHUNKS, CHUNK), jnp.int32),
        pltpu.VMEM((CHUNK, D), jnp.float32),
        pltpu.VMEM_SHARED((N_PAD, D), jnp.float32),
        pltpu.SemaphoreType.DMA,
    ],
)
def _deg_kernel(dst_hbm, ones_hbm, zeros_hbm, out_hbm, idx_v, ones_v, deg_sh,
                dsem):
    c = lax.axis_index("c")
    s = lax.axis_index("s")
    wid = s * NC + c

    pltpu.sync_copy(ones_hbm, ones_v)
    pltpu.sync_copy(
        zeros_hbm.at[pl.ds(s * ROWS_PW, ROWS_PW)],
        deg_sh.at[pl.ds(s * ROWS_PW, ROWS_PW)],
    )
    pltpu.sync_copy(dst_hbm.at[wid], idx_v)
    plsc.subcore_barrier()

    def _body(j, carry):
        pltpu.async_copy(ones_v, deg_sh.at[idx_v.at[j]], dsem, add=True)
        return carry

    lax.fori_loop(0, N_CHUNKS, _body, 0)

    def _drain(j, carry):
        pltpu.make_async_copy(ones_v, deg_sh.at[idx_v.at[j]], dsem).wait()
        return carry

    lax.fori_loop(0, N_CHUNKS, _drain, 0)
    plsc.subcore_barrier()

    pltpu.sync_copy(
        deg_sh.at[pl.ds(s * ROWS_PW, ROWS_PW)],
        out_hbm.at[c, pl.ds(s * ROWS_PW, ROWS_PW)],
    )


GCH = 128
NBUF = 2
WIN = 40
C0_WIN = 3
C1_WIN = 1
C0_CH = C0_WIN * WIN
C1_CH = C1_WIN * WIN
E_SPLIT = NS * C0_CH * GCH


@functools.partial(
    pl.kernel,
    out_type=jax.ShapeDtypeStruct((NC, N_PAD, D), jnp.float32),
    mesh=_mesh,
    scratch_types=[
        pltpu.VMEM((WIN, GCH), jnp.int32),
        pltpu.VMEM((WIN, GCH), jnp.int32),
        pltpu.VMEM((GCH, D), jnp.float32),
        pltpu.VMEM((GCH, D), jnp.float32),
        pltpu.VMEM_SHARED((N_PAD, D), jnp.float32),
        pltpu.SemaphoreType.DMA,
        pltpu.SemaphoreType.DMA,
    ],
)
def _agg_kernel(y_hbm, src0_hbm, dst0_hbm, src1_hbm, dst1_hbm, zeros_hbm,
                out_hbm, srcv, dstv, r0, r1, agg_sh, gsem, ssem):
    c = lax.axis_index("c")
    s = lax.axis_index("s")
    rows = (r0, r1)

    pltpu.sync_copy(
        zeros_hbm.at[pl.ds(s * ROWS_PW, ROWS_PW)],
        agg_sh.at[pl.ds(s * ROWS_PW, ROWS_PW)],
    )
    plsc.subcore_barrier()

    def _window(src_arr, dst_arr, h):
        pltpu.sync_copy(src_arr.at[s, pl.ds(h * WIN, WIN)], srcv)
        pltpu.sync_copy(dst_arr.at[s, pl.ds(h * WIN, WIN)], dstv)
        for b in range(NBUF - 1):
            pltpu.async_copy(y_hbm.at[srcv.at[b]], rows[b], gsem)

        def _group(g, carry):
            for b in range(NBUF):
                j = g * NBUF + b
                bp = (b + NBUF - 1) % NBUF
                pltpu.make_async_copy(
                    y_hbm.at[srcv.at[j]], rows[b], gsem
                ).wait()

                @pl.when(j > 0)
                def _():
                    pltpu.make_async_copy(
                        rows[bp], agg_sh.at[dstv.at[j - 1]], ssem
                    ).wait()

                @pl.when(j + NBUF - 1 < WIN)
                def _():
                    pltpu.async_copy(
                        y_hbm.at[srcv.at[j + NBUF - 1]], rows[bp], gsem
                    )

                pltpu.async_copy(
                    rows[b], agg_sh.at[dstv.at[j]], ssem, add=True
                )
            return carry

        lax.fori_loop(0, WIN // NBUF, _group, 0)
        pltpu.make_async_copy(
            rows[(WIN - 1) % NBUF], agg_sh.at[dstv.at[WIN - 1]], ssem
        ).wait()

    @pl.when(c == 0)
    def _():
        for h in range(C0_WIN):
            _window(src0_hbm, dst0_hbm, h)

    @pl.when(c == 1)
    def _():
        for h in range(C1_WIN):
            _window(src1_hbm, dst1_hbm, h)

    plsc.subcore_barrier()

    pltpu.sync_copy(
        agg_sh.at[pl.ds(s * ROWS_PW, ROWS_PW)],
        out_hbm.at[c, pl.ds(s * ROWS_PW, ROWS_PW)],
    )


_R = 1000


def _prep_body(dga_ref, dgb_ref, x_ref, y_ref):
    deg = dga_ref[...] + dgb_ref[...] + 1.0
    dis = lax.rsqrt(deg)
    y_ref[...] = x_ref[...] * dis


def _out_body(dga_ref, dgb_ref, y_ref, p_ref, w_ref, b_ref, o_ref):
    deg = dga_ref[...] + dgb_ref[...] + 1.0
    dis = lax.rsqrt(deg)
    t = y_ref[...] + p_ref[0] + p_ref[1]
    acc = jnp.dot(t, w_ref[...], preferred_element_type=jnp.float32)
    acc = acc * dis + b_ref[...]
    o_ref[...] = jnp.where(acc > 0, acc, 0.01 * acc)


def kernel(X, A, W, b):
    src = A[0].astype(jnp.int32)
    dst = A[1].astype(jnp.int32)
    pad = jnp.full((E_PAD - E,), N, dtype=jnp.int32)
    src_f = jnp.concatenate([src, pad])
    dst_f = jnp.concatenate([dst, pad])
    dst_p = dst_f.reshape(NW, N_CHUNKS, CHUNK)
    src0 = src_f[:E_SPLIT].reshape(NS, C0_CH, GCH)
    dst0 = dst_f[:E_SPLIT].reshape(NS, C0_CH, GCH)
    src1 = src_f[E_SPLIT:].reshape(NS, C1_CH, GCH)
    dst1 = dst_f[E_SPLIT:].reshape(NS, C1_CH, GCH)

    zerosD = jnp.zeros((N_PAD, D), jnp.float32)
    onesD = jnp.ones((CHUNK, D), jnp.float32)

    degp = _deg_kernel(dst_p, onesD, zerosD)
    dga = degp[0, :, :1]
    dgb = degp[1, :, :1]

    y = pl.pallas_call(
        _prep_body,
        grid=(N // _R,),
        in_specs=[
            pl.BlockSpec((_R, 1), lambda i: (i, 0)),
            pl.BlockSpec((_R, 1), lambda i: (i, 0)),
            pl.BlockSpec((_R, D), lambda i: (i, 0)),
        ],
        out_specs=pl.BlockSpec((_R, D), lambda i: (i, 0)),
        out_shape=jax.ShapeDtypeStruct((N_PAD, D), jnp.float32),
    )(dga, dgb, X)

    partials = _agg_kernel(y, src0, dst0, src1, dst1, zerosD)

    out = pl.pallas_call(
        _out_body,
        grid=(N // _R,),
        in_specs=[
            pl.BlockSpec((_R, 1), lambda i: (i, 0)),
            pl.BlockSpec((_R, 1), lambda i: (i, 0)),
            pl.BlockSpec((_R, D), lambda i: (i, 0)),
            pl.BlockSpec((2, _R, D), lambda i: (0, i, 0)),
            pl.BlockSpec((D, D), lambda i: (0, 0)),
            pl.BlockSpec((1, D), lambda i: (0, 0)),
        ],
        out_specs=pl.BlockSpec((_R, D), lambda i: (i, 0)),
        out_shape=jax.ShapeDtypeStruct((N, D), jnp.float32),
    )(dga, dgb, y, partials, W, b.reshape(1, D))

    return out

# --- scband reference (transcript-rebuilt; emitter-appended) ---
"""Pipeline reference for scband-gcnlayer-2559800508848 (READ-ONLY COPY).

The authoritative reference and input builder live on the scoring server;
editing this copy changes nothing except your own understanding.
"""

import jax, jax.numpy as jnp
import numpy as np

N_NODES = 10000
N_EDGES = 320000
D = 128


def setup_inputs(seed: int = 0) -> dict:
    key = jax.random.key(seed)
    k1, k2, k3, k4 = jax.random.split(key, 4)
    X = jax.random.normal(k1, (N_NODES, D), dtype=jnp.float32)
    A = jax.random.randint(k2, (2, N_EDGES), 0, N_NODES, dtype=jnp.int64)
    W = jax.random.normal(k3, (D, D), dtype=jnp.float32) / np.sqrt(D)
    b = jax.random.normal(k4, (D,), dtype=jnp.float32) * 0.01
    return {"X": X, "A": A, "W": W, "b": b}


def reference(X, A, W, b):
    # GCNConv (PyG-style symmetric normalization with self-loops),
    # followed by LeakyReLU. Dropout is identity in eval mode.
    N = X.shape[0]
    loop = jnp.arange(N, dtype=A.dtype)
    src = jnp.concatenate([A[0], loop])
    dst = jnp.concatenate([A[1], loop])
    # degree (with self-loops, computed on dst like PyG gcn_norm)
    deg = jnp.zeros((N,), dtype=jnp.float32).at[dst].add(1.0)
    deg_inv_sqrt = jnp.where(deg > 0, 1.0 / jnp.sqrt(deg), 0.0)
    norm = deg_inv_sqrt[src] * deg_inv_sqrt[dst]
    # linear transform then propagate
    Xw = X @ W
    msg = Xw[src] * norm[:, None]
    out = jnp.zeros((N, Xw.shape[1]), dtype=Xw.dtype).at[dst].add(msg)
    out = out + b
    # LeakyReLU (default negative_slope=0.01)
    out = jax.nn.leaky_relu(out, negative_slope=0.01)
    return out

if __name__ == "__main__":
    import jax
    _d = setup_inputs()
    print(jax.jit(kernel)(*tuple(_d.values())))

</pallas_src>

<mosaic_0001>
#map = affine_map<(d0, d1) -> (0, 0)>
#map1 = affine_map<(d0, d1) -> (0, 0, 0)>
module attributes {stable_mosaic.version = 14 : i64} {
  func.func @_agg_kernel(%arg0: i32, %arg1: i32, %arg2: memref<10112x128xf32, #tpu.memory_space<hbm>>, %arg3: memref<16x120x128xi32, #tpu.memory_space<hbm>>, %arg4: memref<16x120x128xi32, #tpu.memory_space<hbm>>, %arg5: memref<16x40x128xi32, #tpu.memory_space<hbm>>, %arg6: memref<16x40x128xi32, #tpu.memory_space<hbm>>, %arg7: memref<10112x128xf32, #tpu.memory_space<hbm>>, %arg8: memref<2x10112x128xf32, #tpu.memory_space<hbm>>, %arg9: memref<40x128xi32, #tpu.memory_space<vmem>>, %arg10: memref<40x128xi32, #tpu.memory_space<vmem>>, %arg11: memref<128x128xf32, #tpu.memory_space<vmem>>, %arg12: memref<128x128xf32, #tpu.memory_space<vmem>>, %arg13: memref<10112x128xf32, #tpu.memory_space<vmem_shared>>, %arg14: memref<!tpu.dma_semaphore, #tpu.memory_space<semaphore_mem>>, %arg15: memref<!tpu.dma_semaphore, #tpu.memory_space<semaphore_mem>>) attributes {dimension_semantics = [#tpu.dimension_semantics<core_parallel>, #tpu.dimension_semantics<subcore_parallel>], iteration_bounds = array<i64: 2, 16>, scalar_prefetch = 0 : i64, scratch_operands = 7 : i64, tpu.core_type = #tpu.core_type<sc_vector_subcore>, window_params = [{transform_indices = #map}, {transform_indices = #map1}, {transform_indices = #map1}, {transform_indices = #map1}, {transform_indices = #map1}, {transform_indices = #map}, {transform_indices = #map1}]} {
    %mul3A = arith.constant 632 : i32
    %mul3A_0 = arith.muli %arg1, %mul3A : i32
    %mul3A_1 = arith.constant 632 : i32
    %mul3A_2 = arith.muli %arg1, %mul3A_1 : i32
    "tpu.region"() ({
      %run_scoped3A = tpu.sem_alloc : memref<!tpu.dma_semaphore, #tpu.memory_space<semaphore_mem>>
      %dma_start3A = arith.constant 0 : i32
      %dma_start3A_15 = tpu.memref_slice %arg13[%mul3A_2, %dma_start3A] : memref<10112x128xf32, #tpu.memory_space<vmem_shared>> -> memref<632x128xf32, #tpu.memory_space<vmem_shared>>
      %dma_start3A_16 = arith.constant 0 : i32
      %dma_start3A_17 = tpu.memref_slice %arg7[%mul3A_0, %dma_start3A_16] : memref<10112x128xf32, #tpu.memory_space<hbm>> -> memref<632x128xf32, #tpu.memory_space<hbm>>
      tpu.enqueue_dma source(%dma_start3A_17 : memref<632x128xf32, #tpu.memory_space<hbm>>) target(%dma_start3A_15 : memref<632x128xf32, #tpu.memory_space<vmem_shared>>) target_semaphore(%run_scoped3A : memref<!tpu.dma_semaphore, #tpu.memory_space<semaphore_mem>>)
      %dma_wait3A = arith.constant 0 : i32
      %dma_wait3A_18 = tpu.memref_slice %arg13[%mul3A_2, %dma_wait3A] : memref<10112x128xf32, #tpu.memory_space<vmem_shared>> -> memref<632x128xf32, #tpu.memory_space<vmem_shared>>
      %dma_wait3A_19 = arith.constant 0 : i32
      %dma_wait3A_20 = tpu.memref_slice %arg7[%mul3A_0, %dma_wait3A_19] : memref<10112x128xf32, #tpu.memory_space<hbm>> -> memref<632x128xf32, #tpu.memory_space<hbm>>
      tpu.wait_dma2 semaphore(%run_scoped3A : memref<!tpu.dma_semaphore, #tpu.memory_space<semaphore_mem>>) src(%dma_wait3A_20 : memref<632x128xf32, #tpu.memory_space<hbm>>) dst(%dma_wait3A_18 : memref<632x128xf32, #tpu.memory_space<vmem_shared>>)
      tpu.yield
    }) : () -> ()
    %barrier3A = arith.constant 0 : index
    tpu.barrier barrier_id(%barrier3A)
    %eq3A = arith.constant 0 : i32
    %eq3A_3 = arith.cmpi eq, %arg0, %eq3A : i32
    %convert_element_type3A = arith.extui %eq3A_3 : i1 to i32
    %cond3A = arith.constant 0 : i32
    %cond3A_4 = arith.cmpi ne, %convert_element_type3A, %cond3A : i32
    scf.if %cond3A_4 {
      "tpu.region"() ({
        %run_scoped3A = tpu.sem_alloc : memref<!tpu.dma_semaphore, #tpu.memory_space<semaphore_mem>>
        %dma_start3A_72 = arith.constant 0 : i32
        %dma_start3A_73 = arith.constant 0 : i32
        %dma_start3A_74 = tpu.memref_slice %arg3[%arg1, %dma_start3A_72, %dma_start3A_73] : memref<16x120x128xi32, #tpu.memory_space<hbm>> -> memref<1x40x128xi32, #tpu.memory_space<hbm>>
        %dma_start3A_75 = tpu.memref_squeeze %dma_start3A_74 : memref<1x40x128xi32, #tpu.memory_space<hbm>> -> memref<40x128xi32, #tpu.memory_space<hbm>>
        %dma_start3A_76 = arith.constant 0 : i32
        %dma_start3A_77 = arith.constant 0 : i32
        %dma_start3A_78 = tpu.memref_slice %arg3[%arg1, %dma_start3A_76, %dma_start3A_77] : memref<16x120x128xi32, #tpu.memory_space<hbm>> -> memref<1x40x128xi32, #tpu.memory_space<hbm>>
        %dma_start3A_79 = tpu.memref_squeeze %dma_start3A_78 : memref<1x40x128xi32, #tpu.memory_space<hbm>> -> memref<40x128xi32, #tpu.memory_space<hbm>>
        tpu.enqueue_dma source(%dma_start3A_79 : memref<40x128xi32, #tpu.memory_space<hbm>>) target(%arg9 : memref<40x128xi32, #tpu.memory_space<vmem>>) target_semaphore(%run_scoped3A : memref<!tpu.dma_semaphore, #tpu.memory_space<semaphore_mem>>)
        %dma_wait3A_80 = arith.constant 0 : i32
        %dma_wait3A_81 = arith.constant 0 : i32
        %dma_wait3A_82 = tpu.memref_slice %arg3[%arg1, %dma_wait3A_80, %dma_wait3A_81] : memref<16x120x128xi32, #tpu.memory_space<hbm>> -> memref<1x40x128xi32, #tpu.memory_space<hbm>>
        %dma_wait3A_83 = tpu.memref_squeeze %dma_wait3A_82 : memref<1x40x128xi32, #tpu.memory_space<hbm>> -> memref<40x128xi32, #tpu.memory_space<hbm>>
        %dma_wait3A_84 = arith.constant 0 : i32
        %dma_wait3A_85 = arith.constant 0 : i32
        %dma_wait3A_86 = tpu.memref_slice %arg3[%arg1, %dma_wait3A_84, %dma_wait3A_85] : memref<16x120x128xi32, #tpu.memory_space<hbm>> -> memref<1x40x128xi32, #tpu.memory_space<hbm>>
        %dma_wait3A_87 = tpu.memref_squeeze %dma_wait3A_86 : memref<1x40x128xi32, #tpu.memory_space<hbm>> -> memref<40x128xi32, #tpu.memory_space<hbm>>
        tpu.wait_dma2 semaphore(%run_scoped3A : memref<!tpu.dma_semaphore, #tpu.memory_space<semaphore_mem>>) src(%dma_wait3A_87 : memref<40x128xi32, #tpu.memory_space<hbm>>) dst(%arg9 : memref<40x128xi32, #tpu.memory_space<vmem>>)
        tpu.yield
      }) : () -> ()
      "tpu.region"() ({
        %run_scoped3A = tpu.sem_alloc : memref<!tpu.dma_semaphore, #tpu.memory_space<semaphore_mem>>
        %dma_start3A_72 = arith.constant 0 : i32
        %dma_start3A_73 = arith.constant 0 : i32
        %dma_start3A_74 = tpu.memref_slice %arg4[%arg1, %dma_start3A_72, %dma_start3A_73] : memref<16x120x128xi32, #tpu.memory_space<hbm>> -> memref<1x40x128xi32, #tpu.memory_space<hbm>>
        %dma_start3A_75 = tpu.memref_squeeze %dma_start3A_74 : memref<1x40x128xi32, #tpu.memory_space<hbm>> -> memref<40x128xi32, #tpu.memory_space<hbm>>
        %dma_start3A_76 = arith.constant 0 : i32
        %dma_start3A_77 = arith.constant 0 : i32
        %dma_start3A_78 = tpu.memref_slice %arg4[%arg1, %dma_start3A_76, %dma_start3A_77] : memref<16x120x128xi32, #tpu.memory_space<hbm>> -> memref<1x40x128xi32, #tpu.memory_space<hbm>>
        %dma_start3A_79 = tpu.memref_squeeze %dma_start3A_78 : memref<1x40x128xi32, #tpu.memory_space<hbm>> -> memref<40x128xi32, #tpu.memory_space<hbm>>
        tpu.enqueue_dma source(%dma_start3A_79 : memref<40x128xi32, #tpu.memory_space<hbm>>) target(%arg10 : memref<40x128xi32, #tpu.memory_space<vmem>>) target_semaphore(%run_scoped3A : memref<!tpu.dma_semaphore, #tpu.memory_space<semaphore_mem>>)
        %dma_wait3A_80 = arith.constant 0 : i32
        %dma_wait3A_81 = arith.constant 0 : i32
        %dma_wait3A_82 = tpu.memref_slice %arg4[%arg1, %dma_wait3A_80, %dma_wait3A_81] : memref<16x120x128xi32, #tpu.memory_space<hbm>> -> memref<1x40x128xi32, #tpu.memory_space<hbm>>
        %dma_wait3A_83 = tpu.memref_squeeze %dma_wait3A_82 : memref<1x40x128xi32, #tpu.memory_space<hbm>> -> memref<40x128xi32, #tpu.memory_space<hbm>>
        %dma_wait3A_84 = arith.constant 0 : i32
        %dma_wait3A_85 = arith.constant 0 : i32
        %dma_wait3A_86 = tpu.memref_slice %arg4[%arg1, %dma_wait3A_84, %dma_wait3A_85] : memref<16x120x128xi32, #tpu.memory_space<hbm>> -> memref<1x40x128xi32, #tpu.memory_space<hbm>>
        %dma_wait3A_87 = tpu.memref_squeeze %dma_wait3A_86 : memref<1x40x128xi32, #tpu.memory_space<hbm>> -> memref<40x128xi32, #tpu.memory_space<hbm>>
        tpu.wait_dma2 semaphore(%run_scoped3A : memref<!tpu.dma_semaphore, #tpu.memory_space<semaphore_mem>>) src(%dma_wait3A_87 : memref<40x128xi32, #tpu.memory_space<hbm>>) dst(%arg10 : memref<40x128xi32, #tpu.memory_space<vmem>>)
        tpu.yield
      }) : () -> ()
      %dma_start3A = arith.constant 0 : i32
      %dma_start3A_15 = arith.constant 0 : i32
      %dma_start3A_16 = tpu.memref_slice %arg9[%dma_start3A, %dma_start3A_15] : memref<40x128xi32, #tpu.memory_space<vmem>> -> memref<1x128xi32, #tpu.memory_space<vmem>>
      %dma_start3A_17 = tpu.memref_squeeze %dma_start3A_16 : memref<1x128xi32, #tpu.memory_space<vmem>> -> memref<128xi32, #tpu.memory_space<vmem>>
      %dma_start3A_18 = arith.constant 0 : i32
      %dma_start3A_19 = arith.constant 0 : i32
      %dma_start3A_20 = tpu.memref_slice %arg2[%dma_start3A_18, %dma_start3A_19] : memref<10112x128xf32, #tpu.memory_space<hbm>> -> memref<10112x128xf32, #tpu.memory_space<hbm>>
      tpu.enqueue_indirect_dma source(%dma_start3A_20 : memref<10112x128xf32, #tpu.memory_space<hbm>>) target(%arg11 : memref<128x128xf32, #tpu.memory_space<vmem>>) offsets(%dma_start3A_17 : memref<128xi32, #tpu.memory_space<vmem>>) semaphore(%arg14 : memref<!tpu.dma_semaphore, #tpu.memory_space<semaphore_mem>>)
      %scan3A = arith.constant 0 : i32
      %scan3A_21 = arith.constant 0 : i32
      %scan3A_22 = arith.constant 20 : i32
      %scan3A_23 = arith.addi %scan3A_21, %scan3A_22 : i32
      %scan3A_24 = arith.constant 1 : i32
      scf.for %scan3A_72 = %scan3A_21 to %scan3A_23 step %scan3A_24  : i32 {
        %mul3A_73 = arith.constant 2 : i32
        %mul3A_74 = arith.muli %scan3A_72, %mul3A_73 : i32
        %add3A = arith.constant 0 : i32
        %add3A_75 = arith.addi %mul3A_74, %add3A : i32
        %dma_wait3A_76 = arith.constant 0 : i32
        %dma_wait3A_77 = tpu.memref_slice %arg9[%add3A_75, %dma_wait3A_76] : memref<40x128xi32, #tpu.memory_space<vmem>> -> memref<1x128xi32, #tpu.memory_space<vmem>>
        %dma_wait3A_78 = tpu.memref_squeeze %dma_wait3A_77 : memref<1x128xi32, #tpu.memory_space<vmem>> -> memref<128xi32, #tpu.memory_space<vmem>>
        %dma_wait3A_79 = arith.constant 0 : i32
        %dma_wait3A_80 = arith.constant 0 : i32
        %dma_wait3A_81 = tpu.memref_slice %arg2[%dma_wait3A_79, %dma_wait3A_80] : memref<10112x128xf32, #tpu.memory_space<hbm>> -> memref<10112x128xf32, #tpu.memory_space<hbm>>
        tpu.wait_indirect_dma semaphore(%arg14 : memref<!tpu.dma_semaphore, #tpu.memory_space<semaphore_mem>>) src(%dma_wait3A_81 : memref<10112x128xf32, #tpu.memory_space<hbm>>) dst(%arg11 : memref<128x128xf32, #tpu.memory_space<vmem>>)
        %gt3A = arith.constant 0 : i32
        %gt3A_82 = arith.cmpi sgt, %add3A_75, %gt3A : i32
        %convert_element_type3A_83 = arith.extui %gt3A_82 : i1 to i32
        %cond3A_84 = arith.constant 0 : i32
        %cond3A_85 = arith.cmpi ne, %convert_element_type3A_83, %cond3A_84 : i32
        scf.if %cond3A_85 {
          %sub3A_129 = arith.constant 1 : i32
          %sub3A_130 = arith.subi %add3A_75, %sub3A_129 : i32
          %dma_wait3A_131 = arith.constant 0 : i32
          %dma_wait3A_132 = tpu.memref_slice %arg10[%sub3A_130, %dma_wait3A_131] : memref<40x128xi32, #tpu.memory_space<vmem>> -> memref<1x128xi32, #tpu.memory_space<vmem>>
          %dma_wait3A_133 = tpu.memref_squeeze %dma_wait3A_132 : memref<1x128xi32, #tpu.memory_space<vmem>> -> memref<128xi32, #tpu.memory_space<vmem>>
          %dma_wait3A_134 = arith.constant 0 : i32
          %dma_wait3A_135 = arith.constant 0 : i32
          %dma_wait3A_136 = tpu.memref_slice %arg13[%dma_wait3A_134, %dma_wait3A_135] : memref<10112x128xf32, #tpu.memory_space<vmem_shared>> -> memref<10112x128xf32, #tpu.memory_space<vmem_shared>>
          tpu.wait_indirect_dma semaphore(%arg15 : memref<!tpu.dma_semaphore, #tpu.memory_space<semaphore_mem>>) src(%arg12 : memref<128x128xf32, #tpu.memory_space<vmem>>) dst(%dma_wait3A_136 : memref<10112x128xf32, #tpu.memory_space<vmem_shared>>)
        } else {
        }
        %add3A_86 = arith.constant 2 : i32
        %add3A_87 = arith.addi %add3A_75, %add3A_86 : i32
        %sub3A = arith.constant 1 : i32
        %sub3A_88 = arith.subi %add3A_87, %sub3A : i32
        %lt3A = arith.constant 40 : i32
        %lt3A_89 = arith.cmpi slt, %sub3A_88, %lt3A : i32
        %convert_element_type3A_90 = arith.extui %lt3A_89 : i1 to i32
        %cond3A_91 = arith.constant 0 : i32
        %cond3A_92 = arith.cmpi ne, %convert_element_type3A_90, %cond3A_91 : i32
        scf.if %cond3A_92 {
          %add3A_129 = arith.constant 2 : i32
          %add3A_130 = arith.addi %add3A_75, %add3A_129 : i32
          %sub3A_131 = arith.constant 1 : i32
          %sub3A_132 = arith.subi %add3A_130, %sub3A_131 : i32
          %dma_start3A_133 = arith.constant 0 : i32
          %dma_start3A_134 = tpu.memref_slice %arg9[%sub3A_132, %dma_start3A_133] : memref<40x128xi32, #tpu.memory_space<vmem>> -> memref<1x128xi32, #tpu.memory_space<vmem>>
          %dma_start3A_135 = tpu.memref_squeeze %dma_start3A_134 : memref<1x128xi32, #tpu.memory_space<vmem>> -> memref<128xi32, #tpu.memory_space<vmem>>
          %dma_start3A_136 = arith.constant 0 : i32
          %dma_start3A_137 = arith.constant 0 : i32
          %dma_start3A_138 = tpu.memref_slice %arg2[%dma_start3A_136, %dma_start3A_137] : memref<10112x128xf32, #tpu.memory_space<hbm>> -> memref<10112x128xf32, #tpu.memory_space<hbm>>
          tpu.enqueue_indirect_dma source(%dma_start3A_138 : memref<10112x128xf32, #tpu.memory_space<hbm>>) target(%arg12 : memref<128x128xf32, #tpu.memory_space<vmem>>) offsets(%dma_start3A_135 : memref<128xi32, #tpu.memory_space<vmem>>) semaphore(%arg14 : memref<!tpu.dma_semaphore, #tpu.memory_space<semaphore_mem>>)
        } else {
        }
        %dma_start3A_93 = arith.constant 0 : i32
        %dma_start3A_94 = tpu.memref_slice %arg10[%add3A_75, %dma_start3A_93] : memref<40x128xi32, #tpu.memory_space<vmem>> -> memref<1x128xi32, #tpu.memory_space<vmem>>
        %dma_start3A_95 = tpu.memref_squeeze %dma_start3A_94 : memref<1x128xi32, #tpu.memory_space<vmem>> -> memref<128xi32, #tpu.memory_space<vmem>>
        %dma_start3A_96 = arith.constant 0 : i32
        %dma_start3A_97 = arith.constant 0 : i32
        %dma_start3A_98 = tpu.memref_slice %arg13[%dma_start3A_96, %dma_start3A_97] : memref<10112x128xf32, #tpu.memory_space<vmem_shared>> -> memref<10112x128xf32, #tpu.memory_space<vmem_shared>>
        tpu.enqueue_indirect_dma source(%arg11 : memref<128x128xf32, #tpu.memory_space<vmem>>) target(%dma_start3A_98 : memref<10112x128xf32, #tpu.memory_space<vmem_shared>>) offsets(%dma_start3A_95 : memref<128xi32, #tpu.memory_space<vmem>>) semaphore(%arg15 : memref<!tpu.dma_semaphore, #tpu.memory_space<semaphore_mem>>) {add = true}
        %mul3A_99 = arith.constant 2 : i32
        %mul3A_100 = arith.muli %scan3A_72, %mul3A_99 : i32
        %add3A_101 = arith.constant 1 : i32
        %add3A_102 = arith.addi %mul3A_100, %add3A_101 : i32
        %dma_wait3A_103 = arith.constant 0 : i32
        %dma_wait3A_104 = tpu.memref_slice %arg9[%add3A_102, %dma_wait3A_103] : memref<40x128xi32, #tpu.memory_space<vmem>> -> memref<1x128xi32, #tpu.memory_space<vmem>>
        %dma_wait3A_105 = tpu.memref_squeeze %dma_wait3A_104 : memref<1x128xi32, #tpu.memory_space<vmem>> -> memref<128xi32, #tpu.memory_space<vmem>>
        %dma_wait3A_106 = arith.constant 0 : i32
        %dma_wait3A_107 = arith.constant 0 : i32
        %dma_wait3A_108 = tpu.memref_slice %arg2[%dma_wait3A_106, %dma_wait3A_107] : memref<10112x128xf32, #tpu.memory_space<hbm>> -> memref<10112x128xf32, #tpu.memory_space<hbm>>
        tpu.wait_indirect_dma semaphore(%arg14 : memref<!tpu.dma_semaphore, #tpu.memory_space<semaphore_mem>>) src(%dma_wait3A_108 : memref<10112x128xf32, #tpu.memory_space<hbm>>) dst(%arg12 : memref<128x128xf32, #tpu.memory_space<vmem>>)
        %gt3A_109 = arith.constant 0 : i32
        %gt3A_110 = arith.cmpi sgt, %add3A_102, %gt3A_109 : i32
        %convert_element_type3A_111 = arith.extui %gt3A_110 : i1 to i32
        %cond3A_112 = arith.constant 0 : i32
        %cond3A_113 = arith.cmpi ne, %convert_element_type3A_111, %cond3A_112 : i32
        scf.if %cond3A_113 {
          %sub3A_129 = arith.constant 1 : i32
          %sub3A_130 = arith.subi %add3A_102, %sub3A_129 : i32
          %dma_wait3A_131 = arith.constant 0 : i32
          %dma_wait3A_132 = tpu.memref_slice %arg10[%sub3A_130, %dma_wait3A_131] : memref<40x128xi32, #tpu.memory_space<vmem>> -> memref<1x128xi32, #tpu.memory_space<vmem>>
          %dma_wait3A_133 = tpu.memref_squeeze %dma_wait3A_132 : memref<1x128xi32, #tpu.memory_space<vmem>> -> memref<128xi32, #tpu.memory_space<vmem>>
          %dma_wait3A_134 = arith.constant 0 : i32
          %dma_wait3A_135 = arith.constant 0 : i32
          %dma_wait3A_136 = tpu.memref_slice %arg13[%dma_wait3A_134, %dma_wait3A_135] : memref<10112x128xf32, #tpu.memory_space<vmem_shared>> -> memref<10112x128xf32, #tpu.memory_space<vmem_shared>>
          tpu.wait_indirect_dma semaphore(%arg15 : memref<!tpu.dma_semaphore, #tpu.memory_space<semaphore_mem>>) src(%arg11 : memref<128x128xf32, #tpu.memory_space<vmem>>) dst(%dma_wait3A_136 : memref<10112x128xf32, #tpu.memory_space<vmem_shared>>)
        } else {
        }
        %add3A_114 = arith.constant 2 : i32
        %add3A_115 = arith.addi %add3A_102, %add3A_114 : i32
        %sub3A_116 = arith.constant 1 : i32
        %sub3A_117 = arith.subi %add3A_115, %sub3A_116 : i32
        %lt3A_118 = arith.constant 40 : i32
        %lt3A_119 = arith.cmpi slt, %sub3A_117, %lt3A_118 : i32
        %convert_element_type3A_120 = arith.extui %lt3A_119 : i1 to i32
        %cond3A_121 = arith.constant 0 : i32
        %cond3A_122 = arith.cmpi ne, %convert_element_type3A_120, %cond3A_121 : i32
        scf.if %cond3A_122 {
          %add3A_129 = arith.constant 2 : i32
          %add3A_130 = arith.addi %add3A_102, %add3A_129 : i32
          %sub3A_131 = arith.constant 1 : i32
          %sub3A_132 = arith.subi %add3A_130, %sub3A_131 : i32
          %dma_start3A_133 = arith.constant 0 : i32
          %dma_start3A_134 = tpu.memref_slice %arg9[%sub3A_132, %dma_start3A_133] : memref<40x128xi32, #tpu.memory_space<vmem>> -> memref<1x128xi32, #tpu.memory_space<vmem>>
          %dma_start3A_135 = tpu.memref_squeeze %dma_start3A_134 : memref<1x128xi32, #tpu.memory_space<vmem>> -> memref<128xi32, #tpu.memory_space<vmem>>
          %dma_start3A_136 = arith.constant 0 : i32
          %dma_start3A_137 = arith.constant 0 : i32
          %dma_start3A_138 = tpu.memref_slice %arg2[%dma_start3A_136, %dma_start3A_137] : memref<10112x128xf32, #tpu.memory_space<hbm>> -> memref<10112x128xf32, #tpu.memory_space<hbm>>
          tpu.enqueue_indirect_dma source(%dma_start3A_138 : memref<10112x128xf32, #tpu.memory_space<hbm>>) target(%arg11 : memref<128x128xf32, #tpu.memory_space<vmem>>) offsets(%dma_start3A_135 : memref<128xi32, #tpu.memory_space<vmem>>) semaphore(%arg14 : memref<!tpu.dma_semaphore, #tpu.memory_space<semaphore_mem>>)
        } else {
        }
        %dma_start3A_123 = arith.constant 0 : i32
        %dma_start3A_124 = tpu.memref_slice %arg10[%add3A_102, %dma_start3A_123] : memref<40x128xi32, #tpu.memory_space<vmem>> -> memref<1x128xi32, #tpu.memory_space<vmem>>
        %dma_start3A_125 = tpu.memref_squeeze %dma_start3A_124 : memref<1x128xi32, #tpu.memory_space<vmem>> -> memref<128xi32, #tpu.memory_space<vmem>>
        %dma_start3A_126 = arith.constant 0 : i32
        %dma_start3A_127 = arith.constant 0 : i32
        %dma_start3A_128 = tpu.memref_slice %arg13[%dma_start3A_126, %dma_start3A_127] : memref<10112x128xf32, #tpu.memory_space<vmem_shared>> -> memref<10112x128xf32, #tpu.memory_space<vmem_shared>>
        tpu.enqueue_indirect_dma source(%arg12 : memref<128x128xf32, #tpu.memory_space<vmem>>) target(%dma_start3A_128 : memref<10112x128xf32, #tpu.memory_space<vmem_shared>>) offsets(%dma_start3A_125 : memref<128xi32, #tpu.memory_space<vmem>>) semaphore(%arg15 : memref<!tpu.dma_semaphore, #tpu.memory_space<semaphore_mem>>) {add = true}
      }
      %scan3A_25 = arith.constant 20 : i32
      %dma_wait3A = arith.constant 39 : i32
      %dma_wait3A_26 = arith.constant 0 : i32
      %dma_wait3A_27 = tpu.memref_slice %arg10[%dma_wait3A, %dma_wait3A_26] : memref<40x128xi32, #tpu.memory_space<vmem>> -> memref<1x128xi32, #tpu.memory_space<vmem>>
      %dma_wait3A_28 = tpu.memref_squeeze %dma_wait3A_27 : memref<1x128xi32, #tpu.memory_space<vmem>> -> memref<128xi32, #tpu.memory_space<vmem>>
      %dma_wait3A_29 = arith.constant 0 : i32
      %dma_wait3A_30 = arith.constant 0 : i32
      %dma_wait3A_31 = tpu.memref_slice %arg13[%dma_wait3A_29, %dma_wait3A_30] : memref<10112x128xf32, #tpu.memory_space<vmem_shared>> -> memref<10112x128xf32, #tpu.memory_space<vmem_shared>>
      tpu.wait_indirect_dma semaphore(%arg15 : memref<!tpu.dma_semaphore, #tpu.memory_space<semaphore_mem>>) src(%arg12 : memref<128x128xf32, #tpu.memory_space<vmem>>) dst(%dma_wait3A_31 : memref<10112x128xf32, #tpu.memory_space<vmem_shared>>)
      "tpu.region"() ({
        %run_scoped3A = tpu.sem_alloc : memref<!tpu.dma_semaphore, #tpu.memory_space<semaphore_mem>>
        %dma_start3A_72 = arith.constant 40 : i32
        %dma_start3A_73 = arith.constant 0 : i32
        %dma_start3A_74 = tpu.memref_slice %arg3[%arg1, %dma_start3A_72, %dma_start3A_73] : memref<16x120x128xi32, #tpu.memory_space<hbm>> -> memref<1x40x128xi32, #tpu.memory_space<hbm>>
        %dma_start3A_75 = tpu.memref_squeeze %dma_start3A_74 : memref<1x40x128xi32, #tpu.memory_space<hbm>> -> memref<40x128xi32, #tpu.memory_space<hbm>>
        %dma_start3A_76 = arith.constant 40 : i32
        %dma_start3A_77 = arith.constant 0 : i32
        %dma_start3A_78 = tpu.memref_slice %arg3[%arg1, %dma_start3A_76, %dma_start3A_77] : memref<16x120x128xi32, #tpu.memory_space<hbm>> -> memref<1x40x128xi32, #tpu.memory_space<hbm>>
        %dma_start3A_79 = tpu.memref_squeeze %dma_start3A_78 : memref<1x40x128xi32, #tpu.memory_space<hbm>> -> memref<40x128xi32, #tpu.memory_space<hbm>>
        tpu.enqueue_dma source(%dma_start3A_79 : memref<40x128xi32, #tpu.memory_space<hbm>>) target(%arg9 : memref<40x128xi32, #tpu.memory_space<vmem>>) target_semaphore(%run_scoped3A : memref<!tpu.dma_semaphore, #tpu.memory_space<semaphore_mem>>)
        %dma_wait3A_80 = arith.constant 40 : i32
        %dma_wait3A_81 = arith.constant 0 : i32
        %dma_wait3A_82 = tpu.memref_slice %arg3[%arg1, %dma_wait3A_80, %dma_wait3A_81] : memref<16x120x128xi32, #tpu.memory_space<hbm>> -> memref<1x40x128xi32, #tpu.memory_space<hbm>>
        %dma_wait3A_83 = tpu.memref_squeeze %dma_wait3A_82 : memref<1x40x128xi32, #tpu.memory_space<hbm>> -> memref<40x128xi32, #tpu.memory_space<hbm>>
        %dma_wait3A_84 = arith.constant 40 : i32
        %dma_wait3A_85 = arith.constant 0 : i32
        %dma_wait3A_86 = tpu.memref_slice %arg3[%arg1, %dma_wait3A_84, %dma_wait3A_85] : memref<16x120x128xi32, #tpu.memory_space<hbm>> -> memref<1x40x128xi32, #tpu.memory_space<hbm>>
        %dma_wait3A_87 = tpu.memref_squeeze %dma_wait3A_86 : memref<1x40x128xi32, #tpu.memory_space<hbm>> -> memref<40x128xi32, #tpu.memory_space<hbm>>
        tpu.wait_dma2 semaphore(%run_scoped3A : memref<!tpu.dma_semaphore, #tpu.memory_space<semaphore_mem>>) src(%dma_wait3A_87 : memref<40x128xi32, #tpu.memory_space<hbm>>) dst(%arg9 : memref<40x128xi32, #tpu.memory_space<vmem>>)
        tpu.yield
      }) : () -> ()
      "tpu.region"() ({
        %run_scoped3A = tpu.sem_alloc : memref<!tpu.dma_semaphore, #tpu.memory_space<semaphore_mem>>
        %dma_start3A_72 = arith.constant 40 : i32
        %dma_start3A_73 = arith.constant 0 : i32
        %dma_start3A_74 = tpu.memref_slice %arg4[%arg1, %dma_start3A_72, %dma_start3A_73] : memref<16x120x128xi32, #tpu.memory_space<hbm>> -> memref<1x40x128xi32, #tpu.memory_space<hbm>>
        %dma_start3A_75 = tpu.memref_squeeze %dma_start3A_74 : memref<1x40x128xi32, #tpu.memory_space<hbm>> -> memref<40x128xi32, #tpu.memory_space<hbm>>
        %dma_start3A_76 = arith.constant 40 : i32
        %dma_start3A_77 = arith.constant 0 : i32
        %dma_start3A_78 = tpu.memref_slice %arg4[%arg1, %dma_start3A_76, %dma_start3A_77] : memref<16x120x128xi32, #tpu.memory_space<hbm>> -> memref<1x40x128xi32, #tpu.memory_space<hbm>>
        %dma_start3A_79 = tpu.memref_squeeze %dma_start3A_78 : memref<1x40x128xi32, #tpu.memory_space<hbm>> -> memref<40x128xi32, #tpu.memory_space<hbm>>
        tpu.enqueue_dma source(%dma_start3A_79 : memref<40x128xi32, #tpu.memory_space<hbm>>) target(%arg10 : memref<40x128xi32, #tpu.memory_space<vmem>>) target_semaphore(%run_scoped3A : memref<!tpu.dma_semaphore, #tpu.memory_space<semaphore_mem>>)
        %dma_wait3A_80 = arith.constant 40 : i32
        %dma_wait3A_81 = arith.constant 0 : i32
        %dma_wait3A_82 = tpu.memref_slice %arg4[%arg1, %dma_wait3A_80, %dma_wait3A_81] : memref<16x120x128xi32, #tpu.memory_space<hbm>> -> memref<1x40x128xi32, #tpu.memory_space<hbm>>
        %dma_wait3A_83 = tpu.memref_squeeze %dma_wait3A_82 : memref<1x40x128xi32, #tpu.memory_space<hbm>> -> memref<40x128xi32, #tpu.memory_space<hbm>>
        %dma_wait3A_84 = arith.constant 40 : i32
        %dma_wait3A_85 = arith.constant 0 : i32
        %dma_wait3A_86 = tpu.memref_slice %arg4[%arg1, %dma_wait3A_84, %dma_wait3A_85] : memref<16x120x128xi32, #tpu.memory_space<hbm>> -> memref<1x40x128xi32, #tpu.memory_space<hbm>>
        %dma_wait3A_87 = tpu.memref_squeeze %dma_wait3A_86 : memref<1x40x128xi32, #tpu.memory_space<hbm>> -> memref<40x128xi32, #tpu.memory_space<hbm>>
        tpu.wait_dma2 semaphore(%run_scoped3A : memref<!tpu.dma_semaphore, #tpu.memory_space<semaphore_mem>>) src(%dma_wait3A_87 : memref<40x128xi32, #tpu.memory_space<hbm>>) dst(%arg10 : memref<40x128xi32, #tpu.memory_space<vmem>>)
        tpu.yield
      }) : () -> ()
      %dma_start3A_32 = arith.constant 0 : i32
      %dma_start3A_33 = arith.constant 0 : i32
      %dma_start3A_34 = tpu.memref_slice %arg9[%dma_start3A_32, %dma_start3A_33] : memref<40x128xi32, #tpu.memory_space<vmem>> -> memref<1x128xi32, #tpu.memory_space<vmem>>
      %dma_start3A_35 = tpu.memref_squeeze %dma_start3A_34 : memref<1x128xi32, #tpu.memory_space<vmem>> -> memref<128xi32, #tpu.memory_space<vmem>>
      %dma_start3A_36 = arith.constant 0 : i32
      %dma_start3A_37 = arith.constant 0 : i32
      %dma_start3A_38 = tpu.memref_slice %arg2[%dma_start3A_36, %dma_start3A_37] : memref<10112x128xf32, #tpu.memory_space<hbm>> -> memref<10112x128xf32, #tpu.memory_space<hbm>>
      tpu.enqueue_indirect_dma source(%dma_start3A_38 : memref<10112x128xf32, #tpu.memory_space<hbm>>) target(%arg11 : memref<128x128xf32, #tpu.memory_space<vmem>>) offsets(%dma_start3A_35 : memref<128xi32, #tpu.memory_space<vmem>>) semaphore(%arg14 : memref<!tpu.dma_semaphore, #tpu.memory_space<semaphore_mem>>)
      %scan3A_39 = arith.constant 0 : i32
      %scan3A_40 = arith.constant 0 : i32
      %scan3A_41 = arith.constant 20 : i32
      %scan3A_42 = arith.addi %scan3A_40, %scan3A_41 : i32
      %scan3A_43 = arith.constant 1 : i32
      scf.for %scan3A_72 = %scan3A_40 to %scan3A_42 step %scan3A_43  : i32 {
        %mul3A_73 = arith.constant 2 : i32
        %mul3A_74 = arith.muli %scan3A_72, %mul3A_73 : i32
        %add3A = arith.constant 0 : i32
        %add3A_75 = arith.addi %mul3A_74, %add3A : i32
        %dma_wait3A_76 = arith.constant 0 : i32
        %dma_wait3A_77 = tpu.memref_slice %arg9[%add3A_75, %dma_wait3A_76] : memref<40x128xi32, #tpu.memory_space<vmem>> -> memref<1x128xi32, #tpu.memory_space<vmem>>
        %dma_wait3A_78 = tpu.memref_squeeze %dma_wait3A_77 : memref<1x128xi32, #tpu.memory_space<vmem>> -> memref<128xi32, #tpu.memory_space<vmem>>
        %dma_wait3A_79 = arith.constant 0 : i32
        %dma_wait3A_80 = arith.constant 0 : i32
        %dma_wait3A_81 = tpu.memref_slice %arg2[%dma_wait3A_79, %dma_wait3A_80] : memref<10112x128xf32, #tpu.memory_space<hbm>> -> memref<10112x128xf32, #tpu.memory_space<hbm>>
        tpu.wait_indirect_dma semaphore(%arg14 : memref<!tpu.dma_semaphore, #tpu.memory_space<semaphore_mem>>) src(%dma_wait3A_81 : memref<10112x128xf32, #tpu.memory_space<hbm>>) dst(%arg11 : memref<128x128xf32, #tpu.memory_space<vmem>>)
        %gt3A = arith.constant 0 : i32
        %gt3A_82 = arith.cmpi sgt, %add3A_75, %gt3A : i32
        %convert_element_type3A_83 = arith.extui %gt3A_82 : i1 to i32
        %cond3A_84 = arith.constant 0 : i32
        %cond3A_85 = arith.cmpi ne, %convert_element_type3A_83, %cond3A_84 : i32
        scf.if %cond3A_85 {
          %sub3A_129 = arith.constant 1 : i32
          %sub3A_130 = arith.subi %add3A_75, %sub3A_129 : i32
          %dma_wait3A_131 = arith.constant 0 : i32
          %dma_wait3A_132 = tpu.memref_slice %arg10[%sub3A_130, %dma_wait3A_131] : memref<40x128xi32, #tpu.memory_space<vmem>> -> memref<1x128xi32, #tpu.memory_space<vmem>>
          %dma_wait3A_133 = tpu.memref_squeeze %dma_wait3A_132 : memref<1x128xi32, #tpu.memory_space<vmem>> -> memref<128xi32, #tpu.memory_space<vmem>>
          %dma_wait3A_134 = arith.constant 0 : i32
          %dma_wait3A_135 = arith.constant 0 : i32
          %dma_wait3A_136 = tpu.memref_slice %arg13[%dma_wait3A_134, %dma_wait3A_135] : memref<10112x128xf32, #tpu.memory_space<vmem_shared>> -> memref<10112x128xf32, #tpu.memory_space<vmem_shared>>
          tpu.wait_indirect_dma semaphore(%arg15 : memref<!tpu.dma_semaphore, #tpu.memory_space<semaphore_mem>>) src(%arg12 : memref<128x128xf32, #tpu.memory_space<vmem>>) dst(%dma_wait3A_136 : memref<10112x128xf32, #tpu.memory_space<vmem_shared>>)
        } else {
        }
        %add3A_86 = arith.constant 2 : i32
        %add3A_87 = arith.addi %add3A_75, %add3A_86 : i32
        %sub3A = arith.constant 1 : i32
        %sub3A_88 = arith.subi %add3A_87, %sub3A : i32
        %lt3A = arith.constant 40 : i32
        %lt3A_89 = arith.cmpi slt, %sub3A_88, %lt3A : i32
        %convert_element_type3A_90 = arith.extui %lt3A_89 : i1 to i32
        %cond3A_91 = arith.constant 0 : i32
        %cond3A_92 = arith.cmpi ne, %convert_element_type3A_90, %cond3A_91 : i32
        scf.if %cond3A_92 {
          %add3A_129 = arith.constant 2 : i32
          %add3A_130 = arith.addi %add3A_75, %add3A_129 : i32
          %sub3A_131 = arith.constant 1 : i32
          %sub3A_132 = arith.subi %add3A_130, %sub3A_131 : i32
          %dma_start3A_133 = arith.constant 0 : i32
          %dma_start3A_134 = tpu.memref_slice %arg9[%sub3A_132, %dma_start3A_133] : memref<40x128xi32, #tpu.memory_space<vmem>> -> memref<1x128xi32, #tpu.memory_space<vmem>>
          %dma_start3A_135 = tpu.memref_squeeze %dma_start3A_134 : memref<1x128xi32, #tpu.memory_space<vmem>> -> memref<128xi32, #tpu.memory_space<vmem>>
          %dma_start3A_136 = arith.constant 0 : i32
          %dma_start3A_137 = arith.constant 0 : i32
          %dma_start3A_138 = tpu.memref_slice %arg2[%dma_start3A_136, %dma_start3A_137] : memref<10112x128xf32, #tpu.memory_space<hbm>> -> memref<10112x128xf32, #tpu.memory_space<hbm>>
          tpu.enqueue_indirect_dma source(%dma_start3A_138 : memref<10112x128xf32, #tpu.memory_space<hbm>>) target(%arg12 : memref<128x128xf32, #tpu.memory_space<vmem>>) offsets(%dma_start3A_135 : memref<128xi32, #tpu.memory_space<vmem>>) semaphore(%arg14 : memref<!tpu.dma_semaphore, #tpu.memory_space<semaphore_mem>>)
        } else {
        }
        %dma_start3A_93 = arith.constant 0 : i32
        %dma_start3A_94 = tpu.memref_slice %arg10[%add3A_75, %dma_start3A_93] : memref<40x128xi32, #tpu.memory_space<vmem>> -> memref<1x128xi32, #tpu.memory_space<vmem>>
        %dma_start3A_95 = tpu.memref_squeeze %dma_start3A_94 : memref<1x128xi32, #tpu.memory_space<vmem>> -> memref<128xi32, #tpu.memory_space<vmem>>
        %dma_start3A_96 = arith.constant 0 : i32
        %dma_start3A_97 = arith.constant 0 : i32
        %dma_start3A_98 = tpu.memref_slice %arg13[%dma_start3A_96, %dma_start3A_97] : memref<10112x128xf32, #tpu.memory_space<vmem_shared>> -> memref<10112x128xf32, #tpu.memory_space<vmem_shared>>
        tpu.enqueue_indirect_dma source(%arg11 : memref<128x128xf32, #tpu.memory_space<vmem>>) target(%dma_start3A_98 : memref<10112x128xf32, #tpu.memory_space<vmem_shared>>) offsets(%dma_start3A_95 : memref<128xi32, #tpu.memory_space<vmem>>) semaphore(%arg15 : memref<!tpu.dma_semaphore, #tpu.memory_space<semaphore_mem>>) {add = true}
        %mul3A_99 = arith.constant 2 : i32
        %mul3A_100 = arith.muli %scan3A_72, %mul3A_99 : i32
        %add3A_101 = arith.constant 1 : i32
        %add3A_102 = arith.addi %mul3A_100, %add3A_101 : i32
        %dma_wait3A_103 = arith.constant 0 : i32
        %dma_wait3A_104 = tpu.memref_slice %arg9[%add3A_102, %dma_wait3A_103] : memref<40x128xi32, #tpu.memory_space<vmem>> -> memref<1x128xi32, #tpu.memory_space<vmem>>
        %dma_wait3A_105 = tpu.memref_squeeze %dma_wait3A_104 : memref<1x128xi32, #tpu.memory_space<vmem>> -> memref<128xi32, #tpu.memory_space<vmem>>
        %dma_wait3A_106 = arith.constant 0 : i32
        %dma_wait3A_107 = arith.constant 0 : i32
        %dma_wait3A_108 = tpu.memref_slice %arg2[%dma_wait3A_106, %dma_wait3A_107] : memref<10112x128xf32, #tpu.memory_space<hbm>> -> memref<10112x128xf32, #tpu.memory_space<hbm>>
        tpu.wait_indirect_dma semaphore(%arg14 : memref<!tpu.dma_semaphore, #tpu.memory_space<semaphore_mem>>) src(%dma_wait3A_108 : memref<10112x128xf32, #tpu.memory_space<hbm>>) dst(%arg12 : memref<128x128xf32, #tpu.memory_space<vmem>>)
        %gt3A_109 = arith.constant 0 : i32
        %gt3A_110 = arith.cmpi sgt, %add3A_102, %gt3A_109 : i32
        %convert_element_type3A_111 = arith.extui %gt3A_110 : i1 to i32
        %cond3A_112 = arith.constant 0 : i32
        %cond3A_113 = arith.cmpi ne, %convert_element_type3A_111, %cond3A_112 : i32
        scf.if %cond3A_113 {
          %sub3A_129 = arith.constant 1 : i32
          %sub3A_130 = arith.subi %add3A_102, %sub3A_129 : i32
          %dma_wait3A_131 = arith.constant 0 : i32
          %dma_wait3A_132 = tpu.memref_slice %arg10[%sub3A_130, %dma_wait3A_131] : memref<40x128xi32, #tpu.memory_space<vmem>> -> memref<1x128xi32, #tpu.memory_space<vmem>>
          %dma_wait3A_133 = tpu.memref_squeeze %dma_wait3A_132 : memref<1x128xi32, #tpu.memory_space<vmem>> -> memref<128xi32, #tpu.memory_space<vmem>>
          %dma_wait3A_134 = arith.constant 0 : i32
          %dma_wait3A_135 = arith.constant 0 : i32
          %dma_wait3A_136 = tpu.memref_slice %arg13[%dma_wait3A_134, %dma_wait3A_135] : memref<10112x128xf32, #tpu.memory_space<vmem_shared>> -> memref<10112x128xf32, #tpu.memory_space<vmem_shared>>
          tpu.wait_indirect_dma semaphore(%arg15 : memref<!tpu.dma_semaphore, #tpu.memory_space<semaphore_mem>>) src(%arg11 : memref<128x128xf32, #tpu.memory_space<vmem>>) dst(%dma_wait3A_136 : memref<10112x128xf32, #tpu.memory_space<vmem_shared>>)
        } else {
        }
        %add3A_114 = arith.constant 2 : i32
        %add3A_115 = arith.addi %add3A_102, %add3A_114 : i32
        %sub3A_116 = arith.constant 1 : i32
        %sub3A_117 = arith.subi %add3A_115, %sub3A_116 : i32
        %lt3A_118 = arith.constant 40 : i32
        %lt3A_119 = arith.cmpi slt, %sub3A_117, %lt3A_118 : i32
        %convert_element_type3A_120 = arith.extui %lt3A_119 : i1 to i32
        %cond3A_121 = arith.constant 0 : i32
        %cond3A_122 = arith.cmpi ne, %convert_element_type3A_120, %cond3A_121 : i32
        scf.if %cond3A_122 {
          %add3A_129 = arith.constant 2 : i32
          %add3A_130 = arith.addi %add3A_102, %add3A_129 : i32
          %sub3A_131 = arith.constant 1 : i32
          %sub3A_132 = arith.subi %add3A_130, %sub3A_131 : i32
          %dma_start3A_133 = arith.constant 0 : i32
          %dma_start3A_134 = tpu.memref_slice %arg9[%sub3A_132, %dma_start3A_133] : memref<40x128xi32, #tpu.memory_space<vmem>> -> memref<1x128xi32, #tpu.memory_space<vmem>>
          %dma_start3A_135 = tpu.memref_squeeze %dma_start3A_134 : memref<1x128xi32, #tpu.memory_space<vmem>> -> memref<128xi32, #tpu.memory_space<vmem>>
          %dma_start3A_136 = arith.constant 0 : i32
          %dma_start3A_137 = arith.constant 0 : i32
          %dma_start3A_138 = tpu.memref_slice %arg2[%dma_start3A_136, %dma_start3A_137] : memref<10112x128xf32, #tpu.memory_space<hbm>> -> memref<10112x128xf32, #tpu.memory_space<hbm>>
          tpu.enqueue_indirect_dma source(%dma_start3A_138 : memref<10112x128xf32, #tpu.memory_space<hbm>>) target(%arg11 : memref<128x128xf32, #tpu.memory_space<vmem>>) offsets(%dma_start3A_135 : memref<128xi32, #tpu.memory_space<vmem>>) semaphore(%arg14 : memref<!tpu.dma_semaphore, #tpu.memory_space<semaphore_mem>>)
        } else {
        }
        %dma_start3A_123 = arith.constant 0 : i32
        %dma_start3A_124 = tpu.memref_slice %arg10[%add3A_102, %dma_start3A_123] : memref<40x128xi32, #tpu.memory_space<vmem>> -> memref<1x128xi32, #tpu.memory_space<vmem>>
        %dma_start3A_125 = tpu.memref_squeeze %dma_start3A_124 : memref<1x128xi32, #tpu.memory_space<vmem>> -> memref<128xi32, #tpu.memory_space<vmem>>
        %dma_start3A_126 = arith.constant 0 : i32
        %dma_start3A_127 = arith.constant 0 : i32
        %dma_start3A_128 = tpu.memref_slice %arg13[%dma_start3A_126, %dma_start3A_127] : memref<10112x128xf32, #tpu.memory_space<vmem_shared>> -> memref<10112x128xf32, #tpu.memory_space<vmem_shared>>
        tpu.enqueue_indirect_dma source(%arg12 : memref<128x128xf32, #tpu.memory_space<vmem>>) target(%dma_start3A_128 : memref<10112x128xf32, #tpu.memory_space<vmem_shared>>) offsets(%dma_start3A_125 : memref<128xi32, #tpu.memory_space<vmem>>) semaphore(%arg15 : memref<!tpu.dma_semaphore, #tpu.memory_space<semaphore_mem>>) {add = true}
      }
      %scan3A_44 = arith.constant 20 : i32
      %dma_wait3A_45 = arith.constant 39 : i32
      %dma_wait3A_46 = arith.constant 0 : i32
      %dma_wait3A_47 = tpu.memref_slice %arg10[%dma_wait3A_45, %dma_wait3A_46] : memref<40x128xi32, #tpu.memory_space<vmem>> -> memref<1x128xi32, #tpu.memory_space<vmem>>
      %dma_wait3A_48 = tpu.memref_squeeze %dma_wait3A_47 : memref<1x128xi32, #tpu.memory_space<vmem>> -> memref<128xi32, #tpu.memory_space<vmem>>
      %dma_wait3A_49 = arith.constant 0 : i32
      %dma_wait3A_50 = arith.constant 0 : i32
      %dma_wait3A_51 = tpu.memref_slice %arg13[%dma_wait3A_49, %dma_wait3A_50] : memref<10112x128xf32, #tpu.memory_space<vmem_shared>> -> memref<10112x128xf32, #tpu.memory_space<vmem_shared>>
      tpu.wait_indirect_dma semaphore(%arg15 : memref<!tpu.dma_semaphore, #tpu.memory_space<semaphore_mem>>) src(%arg12 : memref<128x128xf32, #tpu.memory_space<vmem>>) dst(%dma_wait3A_51 : memref<10112x128xf32, #tpu.memory_space<vmem_shared>>)
      "tpu.region"() ({
        %run_scoped3A = tpu.sem_alloc : memref<!tpu.dma_semaphore, #tpu.memory_space<semaphore_mem>>
        %dma_start3A_72 = arith.constant 80 : i32
        %dma_start3A_73 = arith.constant 0 : i32
        %dma_start3A_74 = tpu.memref_slice %arg3[%arg1, %dma_start3A_72, %dma_start3A_73] : memref<16x120x128xi32, #tpu.memory_space<hbm>> -> memref<1x40x128xi32, #tpu.memory_space<hbm>>
        %dma_start3A_75 = tpu.memref_squeeze %dma_start3A_74 : memref<1x40x128xi32, #tpu.memory_space<hbm>> -> memref<40x128xi32, #tpu.memory_space<hbm>>
        %dma_start3A_76 = arith.constant 80 : i32
        %dma_start3A_77 = arith.constant 0 : i32
        %dma_start3A_78 = tpu.memref_slice %arg3[%arg1, %dma_start3A_76, %dma_start3A_77] : memref<16x120x128xi32, #tpu.memory_space<hbm>> -> memref<1x40x128xi32, #tpu.memory_space<hbm>>
        %dma_start3A_79 = tpu.memref_squeeze %dma_start3A_78 : memref<1x40x128xi32, #tpu.memory_space<hbm>> -> memref<40x128xi32, #tpu.memory_space<hbm>>
        tpu.enqueue_dma source(%dma_start3A_79 : memref<40x128xi32, #tpu.memory_space<hbm>>) target(%arg9 : memref<40x128xi32, #tpu.memory_space<vmem>>) target_semaphore(%run_scoped3A : memref<!tpu.dma_semaphore, #tpu.memory_space<semaphore_mem>>)
        %dma_wait3A_80 = arith.constant 80 : i32
        %dma_wait3A_81 = arith.constant 0 : i32
        %dma_wait3A_82 = tpu.memref_slice %arg3[%arg1, %dma_wait3A_80, %dma_wait3A_81] : memref<16x120x128xi32, #tpu.memory_space<hbm>> -> memref<1x40x128xi32, #tpu.memory_space<hbm>>
        %dma_wait3A_83 = tpu.memref_squeeze %dma_wait3A_82 : memref<1x40x128xi32, #tpu.memory_space<hbm>> -> memref<40x128xi32, #tpu.memory_space<hbm>>
        %dma_wait3A_84 = arith.constant 80 : i32
        %dma_wait3A_85 = arith.constant 0 : i32
        %dma_wait3A_86 = tpu.memref_slice %arg3[%arg1, %dma_wait3A_84, %dma_wait3A_85] : memref<16x120x128xi32, #tpu.memory_space<hbm>> -> memref<1x40x128xi32, #tpu.memory_space<hbm>>
        %dma_wait3A_87 = tpu.memref_squeeze %dma_wait3A_86 : memref<1x40x128xi32, #tpu.memory_space<hbm>> -> memref<40x128xi32, #tpu.memory_space<hbm>>
        tpu.wait_dma2 semaphore(%run_scoped3A : memref<!tpu.dma_semaphore, #tpu.memory_space<semaphore_mem>>) src(%dma_wait3A_87 : memref<40x128xi32, #tpu.memory_space<hbm>>) dst(%arg9 : memref<40x128xi32, #tpu.memory_space<vmem>>)
        tpu.yield
      }) : () -> ()
      "tpu.region"() ({
        %run_scoped3A = tpu.sem_alloc : memref<!tpu.dma_semaphore, #tpu.memory_space<semaphore_mem>>
        %dma_start3A_72 = arith.constant 80 : i32
        %dma_start3A_73 = arith.constant 0 : i32
        %dma_start3A_74 = tpu.memref_slice %arg4[%arg1, %dma_start3A_72, %dma_start3A_73] : memref<16x120x128xi32, #tpu.memory_space<hbm>> -> memref<1x40x128xi32, #tpu.memory_space<hbm>>
        %dma_start3A_75 = tpu.memref_squeeze %dma_start3A_74 : memref<1x40x128xi32, #tpu.memory_space<hbm>> -> memref<40x128xi32, #tpu.memory_space<hbm>>
        %dma_start3A_76 = arith.constant 80 : i32
        %dma_start3A_77 = arith.constant 0 : i32
        %dma_start3A_78 = tpu.memref_slice %arg4[%arg1, %dma_start3A_76, %dma_start3A_77] : memref<16x120x128xi32, #tpu.memory_space<hbm>> -> memref<1x40x128xi32, #tpu.memory_space<hbm>>
        %dma_start3A_79 = tpu.memref_squeeze %dma_start3A_78 : memref<1x40x128xi32, #tpu.memory_space<hbm>> -> memref<40x128xi32, #tpu.memory_space<hbm>>
        tpu.enqueue_dma source(%dma_start3A_79 : memref<40x128xi32, #tpu.memory_space<hbm>>) target(%arg10 : memref<40x128xi32, #tpu.memory_space<vmem>>) target_semaphore(%run_scoped3A : memref<!tpu.dma_semaphore, #tpu.memory_space<semaphore_mem>>)
        %dma_wait3A_80 = arith.constant 80 : i32
        %dma_wait3A_81 = arith.constant 0 : i32
        %dma_wait3A_82 = tpu.memref_slice %arg4[%arg1, %dma_wait3A_80, %dma_wait3A_81] : memref<16x120x128xi32, #tpu.memory_space<hbm>> -> memref<1x40x128xi32, #tpu.memory_space<hbm>>
        %dma_wait3A_83 = tpu.memref_squeeze %dma_wait3A_82 : memref<1x40x128xi32, #tpu.memory_space<hbm>> -> memref<40x128xi32, #tpu.memory_space<hbm>>
        %dma_wait3A_84 = arith.constant 80 : i32
        %dma_wait3A_85 = arith.constant 0 : i32
        %dma_wait3A_86 = tpu.memref_slice %arg4[%arg1, %dma_wait3A_84, %dma_wait3A_85] : memref<16x120x128xi32, #tpu.memory_space<hbm>> -> memref<1x40x128xi32, #tpu.memory_space<hbm>>
        %dma_wait3A_87 = tpu.memref_squeeze %dma_wait3A_86 : memref<1x40x128xi32, #tpu.memory_space<hbm>> -> memref<40x128xi32, #tpu.memory_space<hbm>>
        tpu.wait_dma2 semaphore(%run_scoped3A : memref<!tpu.dma_semaphore, #tpu.memory_space<semaphore_mem>>) src(%dma_wait3A_87 : memref<40x128xi32, #tpu.memory_space<hbm>>) dst(%arg10 : memref<40x128xi32, #tpu.memory_space<vmem>>)
        tpu.yield
      }) : () -> ()
      %dma_start3A_52 = arith.constant 0 : i32
      %dma_start3A_53 = arith.constant 0 : i32
      %dma_start3A_54 = tpu.memref_slice %arg9[%dma_start3A_52, %dma_start3A_53] : memref<40x128xi32, #tpu.memory_space<vmem>> -> memref<1x128xi32, #tpu.memory_space<vmem>>
      %dma_start3A_55 = tpu.memref_squeeze %dma_start3A_54 : memref<1x128xi32, #tpu.memory_space<vmem>> -> memref<128xi32, #tpu.memory_space<vmem>>
      %dma_start3A_56 = arith.constant 0 : i32
      %dma_start3A_57 = arith.constant 0 : i32
      %dma_start3A_58 = tpu.memref_slice %arg2[%dma_start3A_56, %dma_start3A_57] : memref<10112x128xf32, #tpu.memory_space<hbm>> -> memref<10112x128xf32, #tpu.memory_space<hbm>>
      tpu.enqueue_indirect_dma source(%dma_start3A_58 : memref<10112x128xf32, #tpu.memory_space<hbm>>) target(%arg11 : memref<128x128xf32, #tpu.memory_space<vmem>>) offsets(%dma_start3A_55 : memref<128xi32, #tpu.memory_space<vmem>>) semaphore(%arg14 : memref<!tpu.dma_semaphore, #tpu.memory_space<semaphore_mem>>)
      %scan3A_59 = arith.constant 0 : i32
      %scan3A_60 = arith.constant 0 : i32
      %scan3A_61 = arith.constant 20 : i32
      %scan3A_62 = arith.addi %scan3A_60, %scan3A_61 : i32
      %scan3A_63 = arith.constant 1 : i32
      scf.for %scan3A_72 = %scan3A_60 to %scan3A_62 step %scan3A_63  : i32 {
        %mul3A_73 = arith.constant 2 : i32
        %mul3A_74 = arith.muli %scan3A_72, %mul3A_73 : i32
        %add3A = arith.constant 0 : i32
        %add3A_75 = arith.addi %mul3A_74, %add3A : i32
        %dma_wait3A_76 = arith.constant 0 : i32
        %dma_wait3A_77 = tpu.memref_slice %arg9[%add3A_75, %dma_wait3A_76] : memref<40x128xi32, #tpu.memory_space<vmem>> -> memref<1x128xi32, #tpu.memory_space<vmem>>
        %dma_wait3A_78 = tpu.memref_squeeze %dma_wait3A_77 : memref<1x128xi32, #tpu.memory_space<vmem>> -> memref<128xi32, #tpu.memory_space<vmem>>
        %dma_wait3A_79 = arith.constant 0 : i32
        %dma_wait3A_80 = arith.constant 0 : i32
        %dma_wait3A_81 = tpu.memref_slice %arg2[%dma_wait3A_79, %dma_wait3A_80] : memref<10112x128xf32, #tpu.memory_space<hbm>> -> memref<10112x128xf32, #tpu.memory_space<hbm>>
        tpu.wait_indirect_dma semaphore(%arg14 : memref<!tpu.dma_semaphore, #tpu.memory_space<semaphore_mem>>) src(%dma_wait3A_81 : memref<10112x128xf32, #tpu.memory_space<hbm>>) dst(%arg11 : memref<128x128xf32, #tpu.memory_space<vmem>>)
        %gt3A = arith.constant 0 : i32
        %gt3A_82 = arith.cmpi sgt, %add3A_75, %gt3A : i32
        %convert_element_type3A_83 = arith.extui %gt3A_82 : i1 to i32
        %cond3A_84 = arith.constant 0 : i32
        %cond3A_85 = arith.cmpi ne, %convert_element_type3A_83, %cond3A_84 : i32
        scf.if %cond3A_85 {
          %sub3A_129 = arith.constant 1 : i32
          %sub3A_130 = arith.subi %add3A_75, %sub3A_129 : i32
          %dma_wait3A_131 = arith.constant 0 : i32
          %dma_wait3A_132 = tpu.memref_slice %arg10[%sub3A_130, %dma_wait3A_131] : memref<40x128xi32, #tpu.memory_space<vmem>> -> memref<1x128xi32, #tpu.memory_space<vmem>>
          %dma_wait3A_133 = tpu.memref_squeeze %dma_wait3A_132 : memref<1x128xi32, #tpu.memory_space<vmem>> -> memref<128xi32, #tpu.memory_space<vmem>>
          %dma_wait3A_134 = arith.constant 0 : i32
          %dma_wait3A_135 = arith.constant 0 : i32
          %dma_wait3A_136 = tpu.memref_slice %arg13[%dma_wait3A_134, %dma_wait3A_135] : memref<10112x128xf32, #tpu.memory_space<vmem_shared>> -> memref<10112x128xf32, #tpu.memory_space<vmem_shared>>
          tpu.wait_indirect_dma semaphore(%arg15 : memref<!tpu.dma_semaphore, #tpu.memory_space<semaphore_mem>>) src(%arg12 : memref<128x128xf32, #tpu.memory_space<vmem>>) dst(%dma_wait3A_136 : memref<10112x128xf32, #tpu.memory_space<vmem_shared>>)
        } else {
        }
        %add3A_86 = arith.constant 2 : i32
        %add3A_87 = arith.addi %add3A_75, %add3A_86 : i32
        %sub3A = arith.constant 1 : i32
        %sub3A_88 = arith.subi %add3A_87, %sub3A : i32
        %lt3A = arith.constant 40 : i32
        %lt3A_89 = arith.cmpi slt, %sub3A_88, %lt3A : i32
        %convert_element_type3A_90 = arith.extui %lt3A_89 : i1 to i32
        %cond3A_91 = arith.constant 0 : i32
        %cond3A_92 = arith.cmpi ne, %convert_element_type3A_90, %cond3A_91 : i32
        scf.if %cond3A_92 {
          %add3A_129 = arith.constant 2 : i32
          %add3A_130 = arith.addi %add3A_75, %add3A_129 : i32
          %sub3A_131 = arith.constant 1 : i32
          %sub3A_132 = arith.subi %add3A_130, %sub3A_131 : i32
          %dma_start3A_133 = arith.constant 0 : i32
          %dma_start3A_134 = tpu.memref_slice %arg9[%sub3A_132, %dma_start3A_133] : memref<40x128xi32, #tpu.memory_space<vmem>> -> memref<1x128xi32, #tpu.memory_space<vmem>>
          %dma_start3A_135 = tpu.memref_squeeze %dma_start3A_134 : memref<1x128xi32, #tpu.memory_space<vmem>> -> memref<128xi32, #tpu.memory_space<vmem>>
          %dma_start3A_136 = arith.constant 0 : i32
          %dma_start3A_137 = arith.constant 0 : i32
          %dma_start3A_138 = tpu.memref_slice %arg2[%dma_start3A_136, %dma_start3A_137] : memref<10112x128xf32, #tpu.memory_space<hbm>> -> memref<10112x128xf32, #tpu.memory_space<hbm>>
          tpu.enqueue_indirect_dma source(%dma_start3A_138 : memref<10112x128xf32, #tpu.memory_space<hbm>>) target(%arg12 : memref<128x128xf32, #tpu.memory_space<vmem>>) offsets(%dma_start3A_135 : memref<128xi32, #tpu.memory_space<vmem>>) semaphore(%arg14 : memref<!tpu.dma_semaphore, #tpu.memory_space<semaphore_mem>>)
        } else {
        }
        %dma_start3A_93 = arith.constant 0 : i32
        %dma_start3A_94 = tpu.memref_slice %arg10[%add3A_75, %dma_start3A_93] : memref<40x128xi32, #tpu.memory_space<vmem>> -> memref<1x128xi32, #tpu.memory_space<vmem>>
        %dma_start3A_95 = tpu.memref_squeeze %dma_start3A_94 : memref<1x128xi32, #tpu.memory_space<vmem>> -> memref<128xi32, #tpu.memory_space<vmem>>
        %dma_start3A_96 = arith.constant 0 : i32
        %dma_start3A_97 = arith.constant 0 : i32
        %dma_start3A_98 = tpu.memref_slice %arg13[%dma_start3A_96, %dma_start3A_97] : memref<10112x128xf32, #tpu.memory_space<vmem_shared>> -> memref<10112x128xf32, #tpu.memory_space<vmem_shared>>
        tpu.enqueue_indirect_dma source(%arg11 : memref<128x128xf32, #tpu.memory_space<vmem>>) target(%dma_start3A_98 : memref<10112x128xf32, #tpu.memory_space<vmem_shared>>) offsets(%dma_start3A_95 : memref<128xi32, #tpu.memory_space<vmem>>) semaphore(%arg15 : memref<!tpu.dma_semaphore, #tpu.memory_space<semaphore_mem>>) {add = true}
        %mul3A_99 = arith.constant 2 : i32
        %mul3A_100 = arith.muli %scan3A_72, %mul3A_99 : i32
        %add3A_101 = arith.constant 1 : i32
        %add3A_102 = arith.addi %mul3A_100, %add3A_101 : i32
        %dma_wait3A_103 = arith.constant 0 : i32
        %dma_wait3A_104 = tpu.memref_slice %arg9[%add3A_102, %dma_wait3A_103] : memref<40x128xi32, #tpu.memory_space<vmem>> -> memref<1x128xi32, #tpu.memory_space<vmem>>
        %dma_wait3A_105 = tpu.memref_squeeze %dma_wait3A_104 : memref<1x128xi32, #tpu.memory_space<vmem>> -> memref<128xi32, #tpu.memory_space<vmem>>
        %dma_wait3A_106 = arith.constant 0 : i32
        %dma_wait3A_107 = arith.constant 0 : i32
        %dma_wait3A_108 = tpu.memref_slice %arg2[%dma_wait3A_106, %dma_wait3A_107] : memref<10112x128xf32, #tpu.memory_space<hbm>> -> memref<10112x128xf32, #tpu.memory_space<hbm>>
        tpu.wait_indirect_dma semaphore(%arg14 : memref<!tpu.dma_semaphore, #tpu.memory_space<semaphore_mem>>) src(%dma_wait3A_108 : memref<10112x128xf32, #tpu.memory_space<hbm>>) dst(%arg12 : memref<128x128xf32, #tpu.memory_space<vmem>>)
        %gt3A_109 = arith.constant 0 : i32
        %gt3A_110 = arith.cmpi sgt, %add3A_102, %gt3A_109 : i32
        %convert_element_type3A_111 = arith.extui %gt3A_110 : i1 to i32
        %cond3A_112 = arith.constant 0 : i32
        %cond3A_113 = arith.cmpi ne, %convert_element_type3A_111, %cond3A_112 : i32
        scf.if %cond3A_113 {
          %sub3A_129 = arith.constant 1 : i32
          %sub3A_130 = arith.subi %add3A_102, %sub3A_129 : i32
          %dma_wait3A_131 = arith.constant 0 : i32
          %dma_wait3A_132 = tpu.memref_slice %arg10[%sub3A_130, %dma_wait3A_131] : memref<40x128xi32, #tpu.memory_space<vmem>> -> memref<1x128xi32, #tpu.memory_space<vmem>>
          %dma_wait3A_133 = tpu.memref_squeeze %dma_wait3A_132 : memref<1x128xi32, #tpu.memory_space<vmem>> -> memref<128xi32, #tpu.memory_space<vmem>>
          %dma_wait3A_134 = arith.constant 0 : i32
          %dma_wait3A_135 = arith.constant 0 : i32
          %dma_wait3A_136 = tpu.memref_slice %arg13[%dma_wait3A_134, %dma_wait3A_135] : memref<10112x128xf32, #tpu.memory_space<vmem_shared>> -> memref<10112x128xf32, #tpu.memory_space<vmem_shared>>
          tpu.wait_indirect_dma semaphore(%arg15 : memref<!tpu.dma_semaphore, #tpu.memory_space<semaphore_mem>>) src(%arg11 : memref<128x128xf32, #tpu.memory_space<vmem>>) dst(%dma_wait3A_136 : memref<10112x128xf32, #tpu.memory_space<vmem_shared>>)
        } else {
        }
        %add3A_114 = arith.constant 2 : i32
        %add3A_115 = arith.addi %add3A_102, %add3A_114 : i32
        %sub3A_116 = arith.constant 1 : i32
        %sub3A_117 = arith.subi %add3A_115, %sub3A_116 : i32
        %lt3A_118 = arith.constant 40 : i32
        %lt3A_119 = arith.cmpi slt, %sub3A_117, %lt3A_118 : i32
        %convert_element_type3A_120 = arith.extui %lt3A_119 : i1 to i32
        %cond3A_121 = arith.constant 0 : i32
        %cond3A_122 = arith.cmpi ne, %convert_element_type3A_120, %cond3A_121 : i32
        scf.if %cond3A_122 {
          %add3A_129 = arith.constant 2 : i32
          %add3A_130 = arith.addi %add3A_102, %add3A_129 : i32
          %sub3A_131 = arith.constant 1 : i32
          %sub3A_132 = arith.subi %add3A_130, %sub3A_131 : i32
          %dma_start3A_133 = arith.constant 0 : i32
          %dma_start3A_134 = tpu.memref_slice %arg9[%sub3A_132, %dma_start3A_133] : memref<40x128xi32, #tpu.memory_space<vmem>> -> memref<1x128xi32, #tpu.memory_space<vmem>>
          %dma_start3A_135 = tpu.memref_squeeze %dma_start3A_134 : memref<1x128xi32, #tpu.memory_space<vmem>> -> memref<128xi32, #tpu.memory_space<vmem>>
          %dma_start3A_136 = arith.constant 0 : i32
          %dma_start3A_137 = arith.constant 0 : i32
          %dma_start3A_138 = tpu.memref_slice %arg2[%dma_start3A_136, %dma_start3A_137] : memref<10112x128xf32, #tpu.memory_space<hbm>> -> memref<10112x128xf32, #tpu.memory_space<hbm>>
          tpu.enqueue_indirect_dma source(%dma_start3A_138 : memref<10112x128xf32, #tpu.memory_space<hbm>>) target(%arg11 : memref<128x128xf32, #tpu.memory_space<vmem>>) offsets(%dma_start3A_135 : memref<128xi32, #tpu.memory_space<vmem>>) semaphore(%arg14 : memref<!tpu.dma_semaphore, #tpu.memory_space<semaphore_mem>>)
        } else {
        }
        %dma_start3A_123 = arith.constant 0 : i32
        %dma_start3A_124 = tpu.memref_slice %arg10[%add3A_102, %dma_start3A_123] : memref<40x128xi32, #tpu.memory_space<vmem>> -> memref<1x128xi32, #tpu.memory_space<vmem>>
        %dma_start3A_125 = tpu.memref_squeeze %dma_start3A_124 : memref<1x128xi32, #tpu.memory_space<vmem>> -> memref<128xi32, #tpu.memory_space<vmem>>
        %dma_start3A_126 = arith.constant 0 : i32
        %dma_start3A_127 = arith.constant 0 : i32
        %dma_start3A_128 = tpu.memref_slice %arg13[%dma_start3A_126, %dma_start3A_127] : memref<10112x128xf32, #tpu.memory_space<vmem_shared>> -> memref<10112x128xf32, #tpu.memory_space<vmem_shared>>
        tpu.enqueue_indirect_dma source(%arg12 : memref<128x128xf32, #tpu.memory_space<vmem>>) target(%dma_start3A_128 : memref<10112x128xf32, #tpu.memory_space<vmem_shared>>) offsets(%dma_start3A_125 : memref<128xi32, #tpu.memory_space<vmem>>) semaphore(%arg15 : memref<!tpu.dma_semaphore, #tpu.memory_space<semaphore_mem>>) {add = true}
      }
      %scan3A_64 = arith.constant 20 : i32
      %dma_wait3A_65 = arith.constant 39 : i32
      %dma_wait3A_66 = arith.constant 0 : i32
      %dma_wait3A_67 = tpu.memref_slice %arg10[%dma_wait3A_65, %dma_wait3A_66] : memref<40x128xi32, #tpu.memory_space<vmem>> -> memref<1x128xi32, #tpu.memory_space<vmem>>
      %dma_wait3A_68 = tpu.memref_squeeze %dma_wait3A_67 : memref<1x128xi32, #tpu.memory_space<vmem>> -> memref<128xi32, #tpu.memory_space<vmem>>
      %dma_wait3A_69 = arith.constant 0 : i32
      %dma_wait3A_70 = arith.constant 0 : i32
      %dma_wait3A_71 = tpu.memref_slice %arg13[%dma_wait3A_69, %dma_wait3A_70] : memref<10112x128xf32, #tpu.memory_space<vmem_shared>> -> memref<10112x128xf32, #tpu.memory_space<vmem_shared>>
      tpu.wait_indirect_dma semaphore(%arg15 : memref<!tpu.dma_semaphore, #tpu.memory_space<semaphore_mem>>) src(%arg12 : memref<128x128xf32, #tpu.memory_space<vmem>>) dst(%dma_wait3A_71 : memref<10112x128xf32, #tpu.memory_space<vmem_shared>>)
    } else {
    }
    %eq3A_5 = arith.constant 1 : i32
    %eq3A_6 = arith.cmpi eq, %arg0, %eq3A_5 : i32
    %convert_element_type3A_7 = arith.extui %eq3A_6 : i1 to i32
    %cond3A_8 = arith.constant 0 : i32
    %cond3A_9 = arith.cmpi ne, %convert_element_type3A_7, %cond3A_8 : i32
    scf.if %cond3A_9 {
      "tpu.region"() ({
        %run_scoped3A = tpu.sem_alloc : memref<!tpu.dma_semaphore, #tpu.memory_space<semaphore_mem>>
        %dma_start3A_32 = arith.constant 0 : i32
        %dma_start3A_33 = arith.constant 0 : i32
        %dma_start3A_34 = tpu.memref_slice %arg5[%arg1, %dma_start3A_32, %dma_start3A_33] : memref<16x40x128xi32, #tpu.memory_space<hbm>> -> memref<1x40x128xi32, #tpu.memory_space<hbm>>
        %dma_start3A_35 = tpu.memref_squeeze %dma_start3A_34 : memref<1x40x128xi32, #tpu.memory_space<hbm>> -> memref<40x128xi32, #tpu.memory_space<hbm>>
        %dma_start3A_36 = arith.constant 0 : i32
        %dma_start3A_37 = arith.constant 0 : i32
        %dma_start3A_38 = tpu.memref_slice %arg5[%arg1, %dma_start3A_36, %dma_start3A_37] : memref<16x40x128xi32, #tpu.memory_space<hbm>> -> memref<1x40x128xi32, #tpu.memory_space<hbm>>
        %dma_start3A_39 = tpu.memref_squeeze %dma_start3A_38 : memref<1x40x128xi32, #tpu.memory_space<hbm>> -> memref<40x128xi32, #tpu.memory_space<hbm>>
        tpu.enqueue_dma source(%dma_start3A_39 : memref<40x128xi32, #tpu.memory_space<hbm>>) target(%arg9 : memref<40x128xi32, #tpu.memory_space<vmem>>) target_semaphore(%run_scoped3A : memref<!tpu.dma_semaphore, #tpu.memory_space<semaphore_mem>>)
        %dma_wait3A_40 = arith.constant 0 : i32
        %dma_wait3A_41 = arith.constant 0 : i32
        %dma_wait3A_42 = tpu.memref_slice %arg5[%arg1, %dma_wait3A_40, %dma_wait3A_41] : memref<16x40x128xi32, #tpu.memory_space<hbm>> -> memref<1x40x128xi32, #tpu.memory_space<hbm>>
        %dma_wait3A_43 = tpu.memref_squeeze %dma_wait3A_42 : memref<1x40x128xi32, #tpu.memory_space<hbm>> -> memref<40x128xi32, #tpu.memory_space<hbm>>
        %dma_wait3A_44 = arith.constant 0 : i32
        %dma_wait3A_45 = arith.constant 0 : i32
        %dma_wait3A_46 = tpu.memref_slice %arg5[%arg1, %dma_wait3A_44, %dma_wait3A_45] : memref<16x40x128xi32, #tpu.memory_space<hbm>> -> memref<1x40x128xi32, #tpu.memory_space<hbm>>
        %dma_wait3A_47 = tpu.memref_squeeze %dma_wait3A_46 : memref<1x40x128xi32, #tpu.memory_space<hbm>> -> memref<40x128xi32, #tpu.memory_space<hbm>>
        tpu.wait_dma2 semaphore(%run_scoped3A : memref<!tpu.dma_semaphore, #tpu.memory_space<semaphore_mem>>) src(%dma_wait3A_47 : memref<40x128xi32, #tpu.memory_space<hbm>>) dst(%arg9 : memref<40x128xi32, #tpu.memory_space<vmem>>)
        tpu.yield
      }) : () -> ()
      "tpu.region"() ({
        %run_scoped3A = tpu.sem_alloc : memref<!tpu.dma_semaphore, #tpu.memory_space<semaphore_mem>>
        %dma_start3A_32 = arith.constant 0 : i32
        %dma_start3A_33 = arith.constant 0 : i32
        %dma_start3A_34 = tpu.memref_slice %arg6[%arg1, %dma_start3A_32, %dma_start3A_33] : memref<16x40x128xi32, #tpu.memory_space<hbm>> -> memref<1x40x128xi32, #tpu.memory_space<hbm>>
        %dma_start3A_35 = tpu.memref_squeeze %dma_start3A_34 : memref<1x40x128xi32, #tpu.memory_space<hbm>> -> memref<40x128xi32, #tpu.memory_space<hbm>>
        %dma_start3A_36 = arith.constant 0 : i32
        %dma_start3A_37 = arith.constant 0 : i32
        %dma_start3A_38 = tpu.memref_slice %arg6[%arg1, %dma_start3A_36, %dma_start3A_37] : memref<16x40x128xi32, #tpu.memory_space<hbm>> -> memref<1x40x128xi32, #tpu.memory_space<hbm>>
        %dma_start3A_39 = tpu.memref_squeeze %dma_start3A_38 : memref<1x40x128xi32, #tpu.memory_space<hbm>> -> memref<40x128xi32, #tpu.memory_space<hbm>>
        tpu.enqueue_dma source(%dma_start3A_39 : memref<40x128xi32, #tpu.memory_space<hbm>>) target(%arg10 : memref<40x128xi32, #tpu.memory_space<vmem>>) target_semaphore(%run_scoped3A : memref<!tpu.dma_semaphore, #tpu.memory_space<semaphore_mem>>)
        %dma_wait3A_40 = arith.constant 0 : i32
        %dma_wait3A_41 = arith.constant 0 : i32
        %dma_wait3A_42 = tpu.memref_slice %arg6[%arg1, %dma_wait3A_40, %dma_wait3A_41] : memref<16x40x128xi32, #tpu.memory_space<hbm>> -> memref<1x40x128xi32, #tpu.memory_space<hbm>>
        %dma_wait3A_43 = tpu.memref_squeeze %dma_wait3A_42 : memref<1x40x128xi32, #tpu.memory_space<hbm>> -> memref<40x128xi32, #tpu.memory_space<hbm>>
        %dma_wait3A_44 = arith.constant 0 : i32
        %dma_wait3A_45 = arith.constant 0 : i32
        %dma_wait3A_46 = tpu.memref_slice %arg6[%arg1, %dma_wait3A_44, %dma_wait3A_45] : memref<16x40x128xi32, #tpu.memory_space<hbm>> -> memref<1x40x128xi32, #tpu.memory_space<hbm>>
        %dma_wait3A_47 = tpu.memref_squeeze %dma_wait3A_46 : memref<1x40x128xi32, #tpu.memory_space<hbm>> -> memref<40x128xi32, #tpu.memory_space<hbm>>
        tpu.wait_dma2 semaphore(%run_scoped3A : memref<!tpu.dma_semaphore, #tpu.memory_space<semaphore_mem>>) src(%dma_wait3A_47 : memref<40x128xi32, #tpu.memory_space<hbm>>) dst(%arg10 : memref<40x128xi32, #tpu.memory_space<vmem>>)
        tpu.yield
      }) : () -> ()
      %dma_start3A = arith.constant 0 : i32
      %dma_start3A_15 = arith.constant 0 : i32
      %dma_start3A_16 = tpu.memref_slice %arg9[%dma_start3A, %dma_start3A_15] : memref<40x128xi32, #tpu.memory_space<vmem>> -> memref<1x128xi32, #tpu.memory_space<vmem>>
      %dma_start3A_17 = tpu.memref_squeeze %dma_start3A_16 : memref<1x128xi32, #tpu.memory_space<vmem>> -> memref<128xi32, #tpu.memory_space<vmem>>
      %dma_start3A_18 = arith.constant 0 : i32
      %dma_start3A_19 = arith.constant 0 : i32
      %dma_start3A_20 = tpu.memref_slice %arg2[%dma_start3A_18, %dma_start3A_19] : memref<10112x128xf32, #tpu.memory_space<hbm>> -> memref<10112x128xf32, #tpu.memory_space<hbm>>
      tpu.enqueue_indirect_dma source(%dma_start3A_20 : memref<10112x128xf32, #tpu.memory_space<hbm>>) target(%arg11 : memref<128x128xf32, #tpu.memory_space<vmem>>) offsets(%dma_start3A_17 : memref<128xi32, #tpu.memory_space<vmem>>) semaphore(%arg14 : memref<!tpu.dma_semaphore, #tpu.memory_space<semaphore_mem>>)
      %scan3A = arith.constant 0 : i32
      %scan3A_21 = arith.constant 0 : i32
      %scan3A_22 = arith.constant 20 : i32
      %scan3A_23 = arith.addi %scan3A_21, %scan3A_22 : i32
      %scan3A_24 = arith.constant 1 : i32
      scf.for %scan3A_32 = %scan3A_21 to %scan3A_23 step %scan3A_24  : i32 {
        %mul3A_33 = arith.constant 2 : i32
        %mul3A_34 = arith.muli %scan3A_32, %mul3A_33 : i32
        %add3A = arith.constant 0 : i32
        %add3A_35 = arith.addi %mul3A_34, %add3A : i32
        %dma_wait3A_36 = arith.constant 0 : i32
        %dma_wait3A_37 = tpu.memref_slice %arg9[%add3A_35, %dma_wait3A_36] : memref<40x128xi32, #tpu.memory_space<vmem>> -> memref<1x128xi32, #tpu.memory_space<vmem>>
        %dma_wait3A_38 = tpu.memref_squeeze %dma_wait3A_37 : memref<1x128xi32, #tpu.memory_space<vmem>> -> memref<128xi32, #tpu.memory_space<vmem>>
        %dma_wait3A_39 = arith.constant 0 : i32
        %dma_wait3A_40 = arith.constant 0 : i32
        %dma_wait3A_41 = tpu.memref_slice %arg2[%dma_wait3A_39, %dma_wait3A_40] : memref<10112x128xf32, #tpu.memory_space<hbm>> -> memref<10112x128xf32, #tpu.memory_space<hbm>>
        tpu.wait_indirect_dma semaphore(%arg14 : memref<!tpu.dma_semaphore, #tpu.memory_space<semaphore_mem>>) src(%dma_wait3A_41 : memref<10112x128xf32, #tpu.memory_space<hbm>>) dst(%arg11 : memref<128x128xf32, #tpu.memory_space<vmem>>)
        %gt3A = arith.constant 0 : i32
        %gt3A_42 = arith.cmpi sgt, %add3A_35, %gt3A : i32
        %convert_element_type3A_43 = arith.extui %gt3A_42 : i1 to i32
        %cond3A_44 = arith.constant 0 : i32
        %cond3A_45 = arith.cmpi ne, %convert_element_type3A_43, %cond3A_44 : i32
        scf.if %cond3A_45 {
          %sub3A_89 = arith.constant 1 : i32
          %sub3A_90 = arith.subi %add3A_35, %sub3A_89 : i32
          %dma_wait3A_91 = arith.constant 0 : i32
          %dma_wait3A_92 = tpu.memref_slice %arg10[%sub3A_90, %dma_wait3A_91] : memref<40x128xi32, #tpu.memory_space<vmem>> -> memref<1x128xi32, #tpu.memory_space<vmem>>
          %dma_wait3A_93 = tpu.memref_squeeze %dma_wait3A_92 : memref<1x128xi32, #tpu.memory_space<vmem>> -> memref<128xi32, #tpu.memory_space<vmem>>
          %dma_wait3A_94 = arith.constant 0 : i32
          %dma_wait3A_95 = arith.constant 0 : i32
          %dma_wait3A_96 = tpu.memref_slice %arg13[%dma_wait3A_94, %dma_wait3A_95] : memref<10112x128xf32, #tpu.memory_space<vmem_shared>> -> memref<10112x128xf32, #tpu.memory_space<vmem_shared>>
          tpu.wait_indirect_dma semaphore(%arg15 : memref<!tpu.dma_semaphore, #tpu.memory_space<semaphore_mem>>) src(%arg12 : memref<128x128xf32, #tpu.memory_space<vmem>>) dst(%dma_wait3A_96 : memref<10112x128xf32, #tpu.memory_space<vmem_shared>>)
        } else {
        }
        %add3A_46 = arith.constant 2 : i32
        %add3A_47 = arith.addi %add3A_35, %add3A_46 : i32
        %sub3A = arith.constant 1 : i32
        %sub3A_48 = arith.subi %add3A_47, %sub3A : i32
        %lt3A = arith.constant 40 : i32
        %lt3A_49 = arith.cmpi slt, %sub3A_48, %lt3A : i32
        %convert_element_type3A_50 = arith.extui %lt3A_49 : i1 to i32
        %cond3A_51 = arith.constant 0 : i32
        %cond3A_52 = arith.cmpi ne, %convert_element_type3A_50, %cond3A_51 : i32
        scf.if %cond3A_52 {
          %add3A_89 = arith.constant 2 : i32
          %add3A_90 = arith.addi %add3A_35, %add3A_89 : i32
          %sub3A_91 = arith.constant 1 : i32
          %sub3A_92 = arith.subi %add3A_90, %sub3A_91 : i32
          %dma_start3A_93 = arith.constant 0 : i32
          %dma_start3A_94 = tpu.memref_slice %arg9[%sub3A_92, %dma_start3A_93] : memref<40x128xi32, #tpu.memory_space<vmem>> -> memref<1x128xi32, #tpu.memory_space<vmem>>
          %dma_start3A_95 = tpu.memref_squeeze %dma_start3A_94 : memref<1x128xi32, #tpu.memory_space<vmem>> -> memref<128xi32, #tpu.memory_space<vmem>>
          %dma_start3A_96 = arith.constant 0 : i32
          %dma_start3A_97 = arith.constant 0 : i32
          %dma_start3A_98 = tpu.memref_slice %arg2[%dma_start3A_96, %dma_start3A_97] : memref<10112x128xf32, #tpu.memory_space<hbm>> -> memref<10112x128xf32, #tpu.memory_space<hbm>>
          tpu.enqueue_indirect_dma source(%dma_start3A_98 : memref<10112x128xf32, #tpu.memory_space<hbm>>) target(%arg12 : memref<128x128xf32, #tpu.memory_space<vmem>>) offsets(%dma_start3A_95 : memref<128xi32, #tpu.memory_space<vmem>>) semaphore(%arg14 : memref<!tpu.dma_semaphore, #tpu.memory_space<semaphore_mem>>)
        } else {
        }
        %dma_start3A_53 = arith.constant 0 : i32
        %dma_start3A_54 = tpu.memref_slice %arg10[%add3A_35, %dma_start3A_53] : memref<40x128xi32, #tpu.memory_space<vmem>> -> memref<1x128xi32, #tpu.memory_space<vmem>>
        %dma_start3A_55 = tpu.memref_squeeze %dma_start3A_54 : memref<1x128xi32, #tpu.memory_space<vmem>> -> memref<128xi32, #tpu.memory_space<vmem>>
        %dma_start3A_56 = arith.constant 0 : i32
        %dma_start3A_57 = arith.constant 0 : i32
        %dma_start3A_58 = tpu.memref_slice %arg13[%dma_start3A_56, %dma_start3A_57] : memref<10112x128xf32, #tpu.memory_space<vmem_shared>> -> memref<10112x128xf32, #tpu.memory_space<vmem_shared>>
        tpu.enqueue_indirect_dma source(%arg11 : memref<128x128xf32, #tpu.memory_space<vmem>>) target(%dma_start3A_58 : memref<10112x128xf32, #tpu.memory_space<vmem_shared>>) offsets(%dma_start3A_55 : memref<128xi32, #tpu.memory_space<vmem>>) semaphore(%arg15 : memref<!tpu.dma_semaphore, #tpu.memory_space<semaphore_mem>>) {add = true}
        %mul3A_59 = arith.constant 2 : i32
        %mul3A_60 = arith.muli %scan3A_32, %mul3A_59 : i32
        %add3A_61 = arith.constant 1 : i32
        %add3A_62 = arith.addi %mul3A_60, %add3A_61 : i32
        %dma_wait3A_63 = arith.constant 0 : i32
        %dma_wait3A_64 = tpu.memref_slice %arg9[%add3A_62, %dma_wait3A_63] : memref<40x128xi32, #tpu.memory_space<vmem>> -> memref<1x128xi32, #tpu.memory_space<vmem>>
        %dma_wait3A_65 = tpu.memref_squeeze %dma_wait3A_64 : memref<1x128xi32, #tpu.memory_space<vmem>> -> memref<128xi32, #tpu.memory_space<vmem>>
        %dma_wait3A_66 = arith.constant 0 : i32
        %dma_wait3A_67 = arith.constant 0 : i32
        %dma_wait3A_68 = tpu.memref_slice %arg2[%dma_wait3A_66, %dma_wait3A_67] : memref<10112x128xf32, #tpu.memory_space<hbm>> -> memref<10112x128xf32, #tpu.memory_space<hbm>>
        tpu.wait_indirect_dma semaphore(%arg14 : memref<!tpu.dma_semaphore, #tpu.memory_space<semaphore_mem>>) src(%dma_wait3A_68 : memref<10112x128xf32, #tpu.memory_space<hbm>>) dst(%arg12 : memref<128x128xf32, #tpu.memory_space<vmem>>)
        %gt3A_69 = arith.constant 0 : i32
        %gt3A_70 = arith.cmpi sgt, %add3A_62, %gt3A_69 : i32
        %convert_element_type3A_71 = arith.extui %gt3A_70 : i1 to i32
        %cond3A_72 = arith.constant 0 : i32
        %cond3A_73 = arith.cmpi ne, %convert_element_type3A_71, %cond3A_72 : i32
        scf.if %cond3A_73 {
          %sub3A_89 = arith.constant 1 : i32
          %sub3A_90 = arith.subi %add3A_62, %sub3A_89 : i32
          %dma_wait3A_91 = arith.constant 0 : i32
          %dma_wait3A_92 = tpu.memref_slice %arg10[%sub3A_90, %dma_wait3A_91] : memref<40x128xi32, #tpu.memory_space<vmem>> -> memref<1x128xi32, #tpu.memory_space<vmem>>
          %dma_wait3A_93 = tpu.memref_squeeze %dma_wait3A_92 : memref<1x128xi32, #tpu.memory_space<vmem>> -> memref<128xi32, #tpu.memory_space<vmem>>
          %dma_wait3A_94 = arith.constant 0 : i32
          %dma_wait3A_95 = arith.constant 0 : i32
          %dma_wait3A_96 = tpu.memref_slice %arg13[%dma_wait3A_94, %dma_wait3A_95] : memref<10112x128xf32, #tpu.memory_space<vmem_shared>> -> memref<10112x128xf32, #tpu.memory_space<vmem_shared>>
          tpu.wait_indirect_dma semaphore(%arg15 : memref<!tpu.dma_semaphore, #tpu.memory_space<semaphore_mem>>) src(%arg11 : memref<128x128xf32, #tpu.memory_space<vmem>>) dst(%dma_wait3A_96 : memref<10112x128xf32, #tpu.memory_space<vmem_shared>>)
        } else {
        }
        %add3A_74 = arith.constant 2 : i32
        %add3A_75 = arith.addi %add3A_62, %add3A_74 : i32
        %sub3A_76 = arith.constant 1 : i32
        %sub3A_77 = arith.subi %add3A_75, %sub3A_76 : i32
        %lt3A_78 = arith.constant 40 : i32
        %lt3A_79 = arith.cmpi slt, %sub3A_77, %lt3A_78 : i32
        %convert_element_type3A_80 = arith.extui %lt3A_79 : i1 to i32
        %cond3A_81 = arith.constant 0 : i32
        %cond3A_82 = arith.cmpi ne, %convert_element_type3A_80, %cond3A_81 : i32
        scf.if %cond3A_82 {
          %add3A_89 = arith.constant 2 : i32
          %add3A_90 = arith.addi %add3A_62, %add3A_89 : i32
          %sub3A_91 = arith.constant 1 : i32
          %sub3A_92 = arith.subi %add3A_90, %sub3A_91 : i32
          %dma_start3A_93 = arith.constant 0 : i32
          %dma_start3A_94 = tpu.memref_slice %arg9[%sub3A_92, %dma_start3A_93] : memref<40x128xi32, #tpu.memory_space<vmem>> -> memref<1x128xi32, #tpu.memory_space<vmem>>
          %dma_start3A_95 = tpu.memref_squeeze %dma_start3A_94 : memref<1x128xi32, #tpu.memory_space<vmem>> -> memref<128xi32, #tpu.memory_space<vmem>>
          %dma_start3A_96 = arith.constant 0 : i32
          %dma_start3A_97 = arith.constant 0 : i32
          %dma_start3A_98 = tpu.memref_slice %arg2[%dma_start3A_96, %dma_start3A_97] : memref<10112x128xf32, #tpu.memory_space<hbm>> -> memref<10112x128xf32, #tpu.memory_space<hbm>>
          tpu.enqueue_indirect_dma source(%dma_start3A_98 : memref<10112x128xf32, #tpu.memory_space<hbm>>) target(%arg11 : memref<128x128xf32, #tpu.memory_space<vmem>>) offsets(%dma_start3A_95 : memref<128xi32, #tpu.memory_space<vmem>>) semaphore(%arg14 : memref<!tpu.dma_semaphore, #tpu.memory_space<semaphore_mem>>)
        } else {
        }
        %dma_start3A_83 = arith.constant 0 : i32
        %dma_start3A_84 = tpu.memref_slice %arg10[%add3A_62, %dma_start3A_83] : memref<40x128xi32, #tpu.memory_space<vmem>> -> memref<1x128xi32, #tpu.memory_space<vmem>>
        %dma_start3A_85 = tpu.memref_squeeze %dma_start3A_84 : memref<1x128xi32, #tpu.memory_space<vmem>> -> memref<128xi32, #tpu.memory_space<vmem>>
        %dma_start3A_86 = arith.constant 0 : i32
        %dma_start3A_87 = arith.constant 0 : i32
        %dma_start3A_88 = tpu.memref_slice %arg13[%dma_start3A_86, %dma_start3A_87] : memref<10112x128xf32, #tpu.memory_space<vmem_shared>> -> memref<10112x128xf32, #tpu.memory_space<vmem_shared>>
        tpu.enqueue_indirect_dma source(%arg12 : memref<128x128xf32, #tpu.memory_space<vmem>>) target(%dma_start3A_88 : memref<10112x128xf32, #tpu.memory_space<vmem_shared>>) offsets(%dma_start3A_85 : memref<128xi32, #tpu.memory_space<vmem>>) semaphore(%arg15 : memref<!tpu.dma_semaphore, #tpu.memory_space<semaphore_mem>>) {add = true}
      }
      %scan3A_25 = arith.constant 20 : i32
      %dma_wait3A = arith.constant 39 : i32
      %dma_wait3A_26 = arith.constant 0 : i32
      %dma_wait3A_27 = tpu.memref_slice %arg10[%dma_wait3A, %dma_wait3A_26] : memref<40x128xi32, #tpu.memory_space<vmem>> -> memref<1x128xi32, #tpu.memory_space<vmem>>
      %dma_wait3A_28 = tpu.memref_squeeze %dma_wait3A_27 : memref<1x128xi32, #tpu.memory_space<vmem>> -> memref<128xi32, #tpu.memory_space<vmem>>
      %dma_wait3A_29 = arith.constant 0 : i32
      %dma_wait3A_30 = arith.constant 0 : i32
      %dma_wait3A_31 = tpu.memref_slice %arg13[%dma_wait3A_29, %dma_wait3A_30] : memref<10112x128xf32, #tpu.memory_space<vmem_shared>> -> memref<10112x128xf32, #tpu.memory_space<vmem_shared>>
      tpu.wait_indirect_dma semaphore(%arg15 : memref<!tpu.dma_semaphore, #tpu.memory_space<semaphore_mem>>) src(%arg12 : memref<128x128xf32, #tpu.memory_space<vmem>>) dst(%dma_wait3A_31 : memref<10112x128xf32, #tpu.memory_space<vmem_shared>>)
    } else {
    }
    %barrier3A_10 = arith.constant 0 : index
    tpu.barrier barrier_id(%barrier3A_10)
    %mul3A_11 = arith.constant 632 : i32
    %mul3A_12 = arith.muli %arg1, %mul3A_11 : i32
    %mul3A_13 = arith.constant 632 : i32
    %mul3A_14 = arith.muli %arg1, %mul3A_13 : i32
    "tpu.region"() ({
      %run_scoped3A = tpu.sem_alloc : memref<!tpu.dma_semaphore, #tpu.memory_space<semaphore_mem>>
      %dma_start3A = arith.constant 0 : i32
      %dma_start3A_15 = tpu.memref_slice %arg8[%arg0, %mul3A_14, %dma_start3A] : memref<2x10112x128xf32, #tpu.memory_space<hbm>> -> memref<1x632x128xf32, #tpu.memory_space<hbm>>
      %dma_start3A_16 = tpu.memref_squeeze %dma_start3A_15 : memref<1x632x128xf32, #tpu.memory_space<hbm>> -> memref<632x128xf32, #tpu.memory_space<hbm>>
      %dma_start3A_17 = arith.constant 0 : i32
      %dma_start3A_18 = tpu.memref_slice %arg13[%mul3A_12, %dma_start3A_17] : memref<10112x128xf32, #tpu.memory_space<vmem_shared>> -> memref<632x128xf32, #tpu.memory_space<vmem_shared>>
      tpu.enqueue_dma source(%dma_start3A_18 : memref<632x128xf32, #tpu.memory_space<vmem_shared>>) target(%dma_start3A_16 : memref<632x128xf32, #tpu.memory_space<hbm>>) target_semaphore(%run_scoped3A : memref<!tpu.dma_semaphore, #tpu.memory_space<semaphore_mem>>)
      %dma_wait3A = arith.constant 0 : i32
      %dma_wait3A_19 = tpu.memref_slice %arg8[%arg0, %mul3A_14, %dma_wait3A] : memref<2x10112x128xf32, #tpu.memory_space<hbm>> -> memref<1x632x128xf32, #tpu.memory_space<hbm>>
      %dma_wait3A_20 = tpu.memref_squeeze %dma_wait3A_19 : memref<1x632x128xf32, #tpu.memory_space<hbm>> -> memref<632x128xf32, #tpu.memory_space<hbm>>
      %dma_wait3A_21 = arith.constant 0 : i32
      %dma_wait3A_22 = tpu.memref_slice %arg13[%mul3A_12, %dma_wait3A_21] : memref<10112x128xf32, #tpu.memory_space<vmem_shared>> -> memref<632x128xf32, #tpu.memory_space<vmem_shared>>
      tpu.wait_dma2 semaphore(%run_scoped3A : memref<!tpu.dma_semaphore, #tpu.memory_space<semaphore_mem>>) src(%dma_wait3A_22 : memref<632x128xf32, #tpu.memory_space<vmem_shared>>) dst(%dma_wait3A_20 : memref<632x128xf32, #tpu.memory_space<hbm>>)
      tpu.yield
    }) : () -> ()
    return
  }
}

#map = affine_map<(d0, d1) -> (0, 0, 0)>
#map1 = affine_map<(d0, d1) -> (0, 0)>
module attributes {stable_mosaic.version = 14 : i64} {
  func.func @_deg_kernel(%arg0: i32, %arg1: i32, %arg2: memref<32x80x128xi32, #tpu.memory_space<hbm>>, %arg3: memref<128x128xf32, #tpu.memory_space<hbm>>, %arg4: memref<10112x128xf32, #tpu.memory_space<hbm>>, %arg5: memref<2x10112x128xf32, #tpu.memory_space<hbm>>, %arg6: memref<80x128xi32, #tpu.memory_space<vmem>>, %arg7: memref<128x128xf32, #tpu.memory_space<vmem>>, %arg8: memref<10112x128xf32, #tpu.memory_space<vmem_shared>>, %arg9: memref<!tpu.dma_semaphore, #tpu.memory_space<semaphore_mem>>) attributes {dimension_semantics = [#tpu.dimension_semantics<core_parallel>, #tpu.dimension_semantics<subcore_parallel>], iteration_bounds = array<i64: 2, 16>, scalar_prefetch = 0 : i64, scratch_operands = 4 : i64, tpu.core_type = #tpu.core_type<sc_vector_subcore>, window_params = [{transform_indices = #map}, {transform_indices = #map1}, {transform_indices = #map1}, {transform_indices = #map}]} {
    %mul3A = arith.constant 2 : i32
    %mul3A_0 = arith.muli %arg1, %mul3A : i32
    %add3A = arith.addi %mul3A_0, %arg0 : i32
    "tpu.region"() ({
      %run_scoped3A = tpu.sem_alloc : memref<!tpu.dma_semaphore, #tpu.memory_space<semaphore_mem>>
      tpu.enqueue_dma source(%arg3 : memref<128x128xf32, #tpu.memory_space<hbm>>) target(%arg7 : memref<128x128xf32, #tpu.memory_space<vmem>>) target_semaphore(%run_scoped3A : memref<!tpu.dma_semaphore, #tpu.memory_space<semaphore_mem>>)
      tpu.wait_dma2 semaphore(%run_scoped3A : memref<!tpu.dma_semaphore, #tpu.memory_space<semaphore_mem>>) src(%arg3 : memref<128x128xf32, #tpu.memory_space<hbm>>) dst(%arg7 : memref<128x128xf32, #tpu.memory_space<vmem>>)
      tpu.yield
    }) : () -> ()
    %mul3A_1 = arith.constant 632 : i32
    %mul3A_2 = arith.muli %arg1, %mul3A_1 : i32
    %mul3A_3 = arith.constant 632 : i32
    %mul3A_4 = arith.muli %arg1, %mul3A_3 : i32
    "tpu.region"() ({
      %run_scoped3A = tpu.sem_alloc : memref<!tpu.dma_semaphore, #tpu.memory_space<semaphore_mem>>
      %dma_start3A = arith.constant 0 : i32
      %dma_start3A_21 = tpu.memref_slice %arg8[%mul3A_4, %dma_start3A] : memref<10112x128xf32, #tpu.memory_space<vmem_shared>> -> memref<632x128xf32, #tpu.memory_space<vmem_shared>>
      %dma_start3A_22 = arith.constant 0 : i32
      %dma_start3A_23 = tpu.memref_slice %arg4[%mul3A_2, %dma_start3A_22] : memref<10112x128xf32, #tpu.memory_space<hbm>> -> memref<632x128xf32, #tpu.memory_space<hbm>>
      tpu.enqueue_dma source(%dma_start3A_23 : memref<632x128xf32, #tpu.memory_space<hbm>>) target(%dma_start3A_21 : memref<632x128xf32, #tpu.memory_space<vmem_shared>>) target_semaphore(%run_scoped3A : memref<!tpu.dma_semaphore, #tpu.memory_space<semaphore_mem>>)
      %dma_wait3A = arith.constant 0 : i32
      %dma_wait3A_24 = tpu.memref_slice %arg8[%mul3A_4, %dma_wait3A] : memref<10112x128xf32, #tpu.memory_space<vmem_shared>> -> memref<632x128xf32, #tpu.memory_space<vmem_shared>>
      %dma_wait3A_25 = arith.constant 0 : i32
      %dma_wait3A_26 = tpu.memref_slice %arg4[%mul3A_2, %dma_wait3A_25] : memref<10112x128xf32, #tpu.memory_space<hbm>> -> memref<632x128xf32, #tpu.memory_space<hbm>>
      tpu.wait_dma2 semaphore(%run_scoped3A : memref<!tpu.dma_semaphore, #tpu.memory_space<semaphore_mem>>) src(%dma_wait3A_26 : memref<632x128xf32, #tpu.memory_space<hbm>>) dst(%dma_wait3A_24 : memref<632x128xf32, #tpu.memory_space<vmem_shared>>)
      tpu.yield
    }) : () -> ()
    "tpu.region"() ({
      %run_scoped3A = tpu.sem_alloc : memref<!tpu.dma_semaphore, #tpu.memory_space<semaphore_mem>>
      %dma_start3A = arith.constant 0 : i32
      %dma_start3A_21 = arith.constant 0 : i32
      %dma_start3A_22 = tpu.memref_slice %arg2[%add3A, %dma_start3A, %dma_start3A_21] : memref<32x80x128xi32, #tpu.memory_space<hbm>> -> memref<1x80x128xi32, #tpu.memory_space<hbm>>
      %dma_start3A_23 = tpu.memref_squeeze %dma_start3A_22 : memref<1x80x128xi32, #tpu.memory_space<hbm>> -> memref<80x128xi32, #tpu.memory_space<hbm>>
      %dma_start3A_24 = arith.constant 0 : i32
      %dma_start3A_25 = arith.constant 0 : i32
      %dma_start3A_26 = tpu.memref_slice %arg2[%add3A, %dma_start3A_24, %dma_start3A_25] : memref<32x80x128xi32, #tpu.memory_space<hbm>> -> memref<1x80x128xi32, #tpu.memory_space<hbm>>
      %dma_start3A_27 = tpu.memref_squeeze %dma_start3A_26 : memref<1x80x128xi32, #tpu.memory_space<hbm>> -> memref<80x128xi32, #tpu.memory_space<hbm>>
      tpu.enqueue_dma source(%dma_start3A_27 : memref<80x128xi32, #tpu.memory_space<hbm>>) target(%arg6 : memref<80x128xi32, #tpu.memory_space<vmem>>) target_semaphore(%run_scoped3A : memref<!tpu.dma_semaphore, #tpu.memory_space<semaphore_mem>>)
      %dma_wait3A = arith.constant 0 : i32
      %dma_wait3A_28 = arith.constant 0 : i32
      %dma_wait3A_29 = tpu.memref_slice %arg2[%add3A, %dma_wait3A, %dma_wait3A_28] : memref<32x80x128xi32, #tpu.memory_space<hbm>> -> memref<1x80x128xi32, #tpu.memory_space<hbm>>
      %dma_wait3A_30 = tpu.memref_squeeze %dma_wait3A_29 : memref<1x80x128xi32, #tpu.memory_space<hbm>> -> memref<80x128xi32, #tpu.memory_space<hbm>>
      %dma_wait3A_31 = arith.constant 0 : i32
      %dma_wait3A_32 = arith.constant 0 : i32
      %dma_wait3A_33 = tpu.memref_slice %arg2[%add3A, %dma_wait3A_31, %dma_wait3A_32] : memref<32x80x128xi32, #tpu.memory_space<hbm>> -> memref<1x80x128xi32, #tpu.memory_space<hbm>>
      %dma_wait3A_34 = tpu.memref_squeeze %dma_wait3A_33 : memref<1x80x128xi32, #tpu.memory_space<hbm>> -> memref<80x128xi32, #tpu.memory_space<hbm>>
      tpu.wait_dma2 semaphore(%run_scoped3A : memref<!tpu.dma_semaphore, #tpu.memory_space<semaphore_mem>>) src(%dma_wait3A_34 : memref<80x128xi32, #tpu.memory_space<hbm>>) dst(%arg6 : memref<80x128xi32, #tpu.memory_space<vmem>>)
      tpu.yield
    }) : () -> ()
    %barrier3A = arith.constant 0 : index
    tpu.barrier barrier_id(%barrier3A)
    %scan3A = arith.constant 0 : i32
    %scan3A_5 = arith.constant 0 : i32
    %scan3A_6 = arith.constant 80 : i32
    %scan3A_7 = arith.addi %scan3A_5, %scan3A_6 : i32
    %scan3A_8 = arith.constant 1 : i32
    scf.for %scan3A_21 = %scan3A_5 to %scan3A_7 step %scan3A_8  : i32 {
      %dma_start3A = arith.constant 0 : i32
      %dma_start3A_22 = tpu.memref_slice %arg6[%scan3A_21, %dma_start3A] : memref<80x128xi32, #tpu.memory_space<vmem>> -> memref<1x128xi32, #tpu.memory_space<vmem>>
      %dma_start3A_23 = tpu.memref_squeeze %dma_start3A_22 : memref<1x128xi32, #tpu.memory_space<vmem>> -> memref<128xi32, #tpu.memory_space<vmem>>
      %dma_start3A_24 = arith.constant 0 : i32
      %dma_start3A_25 = arith.constant 0 : i32
      %dma_start3A_26 = tpu.memref_slice %arg8[%dma_start3A_24, %dma_start3A_25] : memref<10112x128xf32, #tpu.memory_space<vmem_shared>> -> memref<10112x128xf32, #tpu.memory_space<vmem_shared>>
      tpu.enqueue_indirect_dma source(%arg7 : memref<128x128xf32, #tpu.memory_space<vmem>>) target(%dma_start3A_26 : memref<10112x128xf32, #tpu.memory_space<vmem_shared>>) offsets(%dma_start3A_23 : memref<128xi32, #tpu.memory_space<vmem>>) semaphore(%arg9 : memref<!tpu.dma_semaphore, #tpu.memory_space<semaphore_mem>>) {add = true}
    }
    %scan3A_9 = arith.constant 80 : i32
    %scan3A_10 = arith.constant 0 : i32
    %scan3A_11 = arith.constant 0 : i32
    %scan3A_12 = arith.constant 80 : i32
    %scan3A_13 = arith.addi %scan3A_11, %scan3A_12 : i32
    %scan3A_14 = arith.constant 1 : i32
    scf.for %scan3A_21 = %scan3A_11 to %scan3A_13 step %scan3A_14  : i32 {
      %dma_wait3A = arith.constant 0 : i32
      %dma_wait3A_22 = tpu.memref_slice %arg6[%scan3A_21, %dma_wait3A] : memref<80x128xi32, #tpu.memory_space<vmem>> -> memref<1x128xi32, #tpu.memory_space<vmem>>
      %dma_wait3A_23 = tpu.memref_squeeze %dma_wait3A_22 : memref<1x128xi32, #tpu.memory_space<vmem>> -> memref<128xi32, #tpu.memory_space<vmem>>
      %dma_wait3A_24 = arith.constant 0 : i32
      %dma_wait3A_25 = arith.constant 0 : i32
      %dma_wait3A_26 = tpu.memref_slice %arg8[%dma_wait3A_24, %dma_wait3A_25] : memref<10112x128xf32, #tpu.memory_space<vmem_shared>> -> memref<10112x128xf32, #tpu.memory_space<vmem_shared>>
      tpu.wait_indirect_dma semaphore(%arg9 : memref<!tpu.dma_semaphore, #tpu.memory_space<semaphore_mem>>) src(%arg7 : memref<128x128xf32, #tpu.memory_space<vmem>>) dst(%dma_wait3A_26 : memref<10112x128xf32, #tpu.memory_space<vmem_shared>>)
    }
    %scan3A_15 = arith.constant 80 : i32
    %barrier3A_16 = arith.constant 0 : index
    tpu.barrier barrier_id(%barrier3A_16)
    %mul3A_17 = arith.constant 632 : i32
    %mul3A_18 = arith.muli %arg1, %mul3A_17 : i32
    %mul3A_19 = arith.constant 632 : i32
    %mul3A_20 = arith.muli %arg1, %mul3A_19 : i32
    "tpu.region"() ({
      %run_scoped3A = tpu.sem_alloc : memref<!tpu.dma_semaphore, #tpu.memory_space<semaphore_mem>>
      %dma_start3A = arith.constant 0 : i32
      %dma_start3A_21 = tpu.memref_slice %arg5[%arg0, %mul3A_20, %dma_start3A] : memref<2x10112x128xf32, #tpu.memory_space<hbm>> -> memref<1x632x128xf32, #tpu.memory_space<hbm>>
      %dma_start3A_22 = tpu.memref_squeeze %dma_start3A_21 : memref<1x632x128xf32, #tpu.memory_space<hbm>> -> memref<632x128xf32, #tpu.memory_space<hbm>>
      %dma_start3A_23 = arith.constant 0 : i32
      %dma_start3A_24 = tpu.memref_slice %arg8[%mul3A_18, %dma_start3A_23] : memref<10112x128xf32, #tpu.memory_space<vmem_shared>> -> memref<632x128xf32, #tpu.memory_space<vmem_shared>>
      tpu.enqueue_dma source(%dma_start3A_24 : memref<632x128xf32, #tpu.memory_space<vmem_shared>>) target(%dma_start3A_22 : memref<632x128xf32, #tpu.memory_space<hbm>>) target_semaphore(%run_scoped3A : memref<!tpu.dma_semaphore, #tpu.memory_space<semaphore_mem>>)
      %dma_wait3A = arith.constant 0 : i32
      %dma_wait3A_25 = tpu.memref_slice %arg5[%arg0, %mul3A_20, %dma_wait3A] : memref<2x10112x128xf32, #tpu.memory_space<hbm>> -> memref<1x632x128xf32, #tpu.memory_space<hbm>>
      %dma_wait3A_26 = tpu.memref_squeeze %dma_wait3A_25 : memref<1x632x128xf32, #tpu.memory_space<hbm>> -> memref<632x128xf32, #tpu.memory_space<hbm>>
      %dma_wait3A_27 = arith.constant 0 : i32
      %dma_wait3A_28 = tpu.memref_slice %arg8[%mul3A_18, %dma_wait3A_27] : memref<10112x128xf32, #tpu.memory_space<vmem_shared>> -> memref<632x128xf32, #tpu.memory_space<vmem_shared>>
      tpu.wait_dma2 semaphore(%run_scoped3A : memref<!tpu.dma_semaphore, #tpu.memory_space<semaphore_mem>>) src(%dma_wait3A_28 : memref<632x128xf32, #tpu.memory_space<vmem_shared>>) dst(%dma_wait3A_26 : memref<632x128xf32, #tpu.memory_space<hbm>>)
      tpu.yield
    }) : () -> ()
    return
  }
}

module attributes {stable_mosaic.version = 14 : i64} {
  func.func @_prep_body(%arg0: i32, %arg1: memref<1000x1xf32, #tpu.memory_space<vmem>>, %arg2: memref<1000x1xf32, #tpu.memory_space<vmem>>, %arg3: memref<1000x128xf32, #tpu.memory_space<vmem>>, %arg4: memref<1000x128xf32, #tpu.memory_space<vmem>>) attributes {dimension_semantics = [#tpu.dimension_semantics<arbitrary>], iteration_bounds = array<i64: 10>, scalar_prefetch = 0 : i64, scratch_operands = 0 : i64, tpu.core_type = #tpu.core_type<tc>, window_params = [{transform_indices = @transform_0, window_bounds = array<i64: 1000, 1>}, {transform_indices = @transform_1, window_bounds = array<i64: 1000, 1>}, {transform_indices = @transform_2, window_bounds = array<i64: 1000, 128>}, {transform_indices = @transform_3, window_bounds = array<i64: 1000, 128>}]} {
    %get3A = arith.constant 0 : index
    %get3A_0 = arith.constant 0 : index
    %get3A_1 = vector.load %arg1[%get3A, %get3A_0] : memref<1000x1xf32, #tpu.memory_space<vmem>>, vector<1000x1xf32>
    %get3A_2 = arith.constant 0 : index
    %get3A_3 = arith.constant 0 : index
    %get3A_4 = vector.load %arg2[%get3A_2, %get3A_3] : memref<1000x1xf32, #tpu.memory_space<vmem>>, vector<1000x1xf32>
    %add3A = arith.addf %get3A_1, %get3A_4 : vector<1000x1xf32>
    %add3A_5 = arith.constant 1.000000e+00 : f32
    %add3A_6 = vector.broadcast %add3A_5 : f32 to vector<1000x1xf32>
    %add3A_7 = arith.addf %add3A, %add3A_6 : vector<1000x1xf32>
    %rsqrt3A = math.rsqrt %add3A_7 : vector<1000x1xf32>
    %get3A_8 = arith.constant 0 : index
    %get3A_9 = arith.constant 0 : index
    %get3A_10 = vector.load %arg3[%get3A_8, %get3A_9] : memref<1000x128xf32, #tpu.memory_space<vmem>>, vector<1000x128xf32>
    %mul3A = vector.broadcast %rsqrt3A : vector<1000x1xf32> to vector<1000x128xf32>
    %mul3A_11 = arith.mulf %get3A_10, %mul3A : vector<1000x128xf32>
    %swap3A = arith.constant 0 : index
    %swap3A_12 = arith.constant 0 : index
    %swap3A_13 = vector.load %arg4[%swap3A, %swap3A_12] : memref<1000x128xf32, #tpu.memory_space<vmem>>, vector<1000x128xf32>
    tpu.vector_store %arg4[%swap3A, %swap3A_12], %mul3A_11 {strides = array<i32>} : memref<1000x128xf32, #tpu.memory_space<vmem>>, vector<1000x128xf32>,
    return
  }
  func.func @transform_0(%arg0: i32) -> (i32, i32) {
    %c0_i32 = arith.constant 0 : i32
    %c0_i32_0 = arith.constant 0 : i32
    return %arg0, %c0_i32 : i32, i32
  }
  func.func @transform_1(%arg0: i32) -> (i32, i32) {
    %c0_i32 = arith.constant 0 : i32
    %c0_i32_0 = arith.constant 0 : i32
    return %arg0, %c0_i32 : i32, i32
  }
  func.func @transform_2(%arg0: i32) -> (i32, i32) {
    %c0_i32 = arith.constant 0 : i32
    %c0_i32_0 = arith.constant 0 : i32
    return %arg0, %c0_i32 : i32, i32
  }
  func.func @transform_3(%arg0: i32) -> (i32, i32) {
    %c0_i32 = arith.constant 0 : i32
    %c0_i32_0 = arith.constant 0 : i32
    return %arg0, %c0_i32 : i32, i32
  }
}

module attributes {stable_mosaic.version = 14 : i64} {
  func.func @_out_body(%arg0: i32, %arg1: memref<1000x1xf32, #tpu.memory_space<vmem>>, %arg2: memref<1000x1xf32, #tpu.memory_space<vmem>>, %arg3: memref<1000x128xf32, #tpu.memory_space<vmem>>, %arg4: memref<2x1000x128xf32, #tpu.memory_space<vmem>>, %arg5: memref<128x128xf32, #tpu.memory_space<vmem>>, %arg6: memref<1x128xf32, #tpu.memory_space<vmem>>, %arg7: memref<1000x128xf32, #tpu.memory_space<vmem>>) attributes {dimension_semantics = [#tpu.dimension_semantics<arbitrary>], iteration_bounds = array<i64: 10>, scalar_prefetch = 0 : i64, scratch_operands = 0 : i64, tpu.core_type = #tpu.core_type<tc>, window_params = [{transform_indices = @transform_0, window_bounds = array<i64: 1000, 1>}, {transform_indices = @transform_1, window_bounds = array<i64: 1000, 1>}, {transform_indices = @transform_2, window_bounds = array<i64: 1000, 128>}, {transform_indices = @transform_3, window_bounds = array<i64: 2, 1000, 128>}, {pipeline_mode = #tpu.pipeline_mode<synchronous>, transform_indices = @transform_4, window_bounds = array<i64: 128, 128>}, {pipeline_mode = #tpu.pipeline_mode<synchronous>, transform_indices = @transform_5, window_bounds = array<i64: 1, 128>}, {transform_indices = @transform_6, window_bounds = array<i64: 1000, 128>}]} {
    %get3A = arith.constant 0 : index
    %get3A_0 = arith.constant 0 : index
    %get3A_1 = vector.load %arg1[%get3A, %get3A_0] : memref<1000x1xf32, #tpu.memory_space<vmem>>, vector<1000x1xf32>
    %get3A_2 = arith.constant 0 : index
    %get3A_3 = arith.constant 0 : index
    %get3A_4 = vector.load %arg2[%get3A_2, %get3A_3] : memref<1000x1xf32, #tpu.memory_space<vmem>>, vector<1000x1xf32>
    %add3A = arith.addf %get3A_1, %get3A_4 : vector<1000x1xf32>
    %add3A_5 = arith.constant 1.000000e+00 : f32
    %add3A_6 = vector.broadcast %add3A_5 : f32 to vector<1000x1xf32>
    %add3A_7 = arith.addf %add3A, %add3A_6 : vector<1000x1xf32>
    %rsqrt3A = math.rsqrt %add3A_7 : vector<1000x1xf32>
    %get3A_8 = arith.constant 0 : index
    %get3A_9 = arith.constant 0 : index
    %get3A_10 = vector.load %arg3[%get3A_8, %get3A_9] : memref<1000x128xf32, #tpu.memory_space<vmem>>, vector<1000x128xf32>
    %get3A_11 = arith.constant 0 : index
    %get3A_12 = arith.constant 0 : index
    %get3A_13 = arith.constant 0 : index
    %get3A_14 = vector.load %arg4[%get3A_11, %get3A_12, %get3A_13] : memref<2x1000x128xf32, #tpu.memory_space<vmem>>, vector<1x1000x128xf32>
    %get3A_15 = vector.shape_cast %get3A_14 : vector<1x1000x128xf32> to vector<1000x128xf32>
    %add3A_16 = arith.addf %get3A_10, %get3A_15 : vector<1000x128xf32>
    %get3A_17 = arith.constant 1 : index
    %get3A_18 = arith.constant 0 : index
    %get3A_19 = arith.constant 0 : index
    %get3A_20 = vector.load %arg4[%get3A_17, %get3A_18, %get3A_19] : memref<2x1000x128xf32, #tpu.memory_space<vmem>>, vector<1x1000x128xf32>
    %get3A_21 = vector.shape_cast %get3A_20 : vector<1x1000x128xf32> to vector<1000x128xf32>
    %add3A_22 = arith.addf %add3A_16, %get3A_21 : vector<1000x128xf32>
    %get3A_23 = arith.constant 0 : index
    %get3A_24 = arith.constant 0 : index
    %get3A_25 = vector.load %arg5[%get3A_23, %get3A_24] : memref<128x128xf32, #tpu.memory_space<vmem>>, vector<128x128xf32>
    %dot_general3A = arith.constant dense<0.000000e+00> : vector<1000x128xf32>
    %dot_general3A_26 = tpu.matmul %add3A_22, %get3A_25, %dot_general3A {dimension_numbers = #tpu.dot_dimension_numbers<[1], [0], [0], [1], [0, 0, 1, 1], [], []>, transpose_lhs_hint = false} : vector<1000x128xf32>, vector<128x128xf32>, vector<1000x128xf32> -> vector<1000x128xf32>
    %mul3A = vector.broadcast %rsqrt3A : vector<1000x1xf32> to vector<1000x128xf32>
    %mul3A_27 = arith.mulf %dot_general3A_26, %mul3A : vector<1000x128xf32>
    %get3A_28 = arith.constant 0 : index
    %get3A_29 = arith.constant 0 : index
    %get3A_30 = vector.load %arg6[%get3A_28, %get3A_29] : memref<1x128xf32, #tpu.memory_space<vmem>>, vector<1x128xf32>
    %add3A_31 = vector.broadcast %get3A_30 : vector<1x128xf32> to vector<1000x128xf32>
    %add3A_32 = arith.addf %mul3A_27, %add3A_31 : vector<1000x128xf32>
    %gt3A = arith.constant 0.000000e+00 : f32
    %gt3A_33 = vector.broadcast %gt3A : f32 to vector<1000x128xf32>
    %gt3A_34 = arith.cmpf ogt, %add3A_32, %gt3A_33 : vector<1000x128xf32>
    %mul3A_35 = arith.constant 0.00999999977 : f32
    %mul3A_36 = vector.broadcast %mul3A_35 : f32 to vector<1000x128xf32>
    %mul3A_37 = arith.mulf %mul3A_36, %add3A_32 : vector<1000x128xf32>
    %select_n3A = arith.select %gt3A_34, %add3A_32, %mul3A_37 : vector<1000x128xi1>, vector<1000x128xf32>
    %swap3A = arith.constant 0 : index
    %swap3A_38 = arith.constant 0 : index
    %swap3A_39 = vector.load %arg7[%swap3A, %swap3A_38] : memref<1000x128xf32, #tpu.memory_space<vmem>>, vector<1000x128xf32>
    tpu.vector_store %arg7[%swap3A, %swap3A_38], %select_n3A {strides = array<i32>} : memref<1000x128xf32, #tpu.memory_space<vmem>>, vector<1000x128xf32>,
    return
  }
  func.func @transform_0(%arg0: i32) -> (i32, i32) {
    %c0_i32 = arith.constant 0 : i32
    %c0_i32_0 = arith.constant 0 : i32
    return %arg0, %c0_i32 : i32, i32
  }
  func.func @transform_1(%arg0: i32) -> (i32, i32) {
    %c0_i32 = arith.constant 0 : i32
    %c0_i32_0 = arith.constant 0 : i32
    return %arg0, %c0_i32 : i32, i32
  }
  func.func @transform_2(%arg0: i32) -> (i32, i32) {
    %c0_i32 = arith.constant 0 : i32
    %c0_i32_0 = arith.constant 0 : i32
    return %arg0, %c0_i32 : i32, i32
  }
  func.func @transform_3(%arg0: i32) -> (i32, i32, i32) {
    %c0_i32 = arith.constant 0 : i32
    %c0_i32_0 = arith.constant 0 : i32
    %c0_i32_1 = arith.constant 0 : i32
    return %c0_i32, %arg0, %c0_i32_0 : i32, i32, i32
  }
  func.func @transform_4(%arg0: i32) -> (i32, i32) {
    %c0_i32 = arith.constant 0 : i32
    %c0_i32_0 = arith.constant 0 : i32
    %c0_i32_1 = arith.constant 0 : i32
    return %c0_i32, %c0_i32_0 : i32, i32
  }
  func.func @transform_5(%arg0: i32) -> (i32, i32) {
    %c0_i32 = arith.constant 0 : i32
    %c0_i32_0 = arith.constant 0 : i32
    %c0_i32_1 = arith.constant 0 : i32
    return %c0_i32, %c0_i32_0 : i32, i32
  }
  func.func @transform_6(%arg0: i32) -> (i32, i32) {
    %c0_i32 = arith.constant 0 : i32
    %c0_i32_0 = arith.constant 0 : i32
    return %arg0, %c0_i32 : i32, i32
  }
}

</mosaic_0001>

<sc_bundles>
// kernel: kernel.6.cloned.1.call-start
scs
__scs_entry_jumppad:
0x0: {  	(pc) =	sbr.rel $0x88, $3  }
0x1: {  	(tag) =	ssettag $0x0;
	lr =	simm.s32 $0x1  }
0x2: {  	[smem:$0x3F9D] =	sst lr;
	_ =	strace $0xD0000000  }
0x3: {  	_ = 	snop  }
0x4: {  	_ = 	snop  }
0x5: {  	_ = 	snop  }
0x6: {  	_ = 	snop  }
0x7: {  	_ = 	snop  }
__scs_overlays_trampoline_lowered:
0x8: {  	[smem:$0x3FAC] =	sst s0  }
0x9: {  	[smem:$0x3FAD] =	sst s1  }
0xa: {  	[smem:$0x3FAE] =	sst s2  }
0xb: {  	[smem:$0x3FAF] =	sst s3  }
0xc: {  	[smem:$0x3FB0] =	sst s4  }
0xd: {  	[smem:$0x3FB1] =	sst s5  }
0xe: {  	[smem:$0x3FB2] =	sst s6  }
0xf: {  	[smem:$0x3FB3] =	sst s7  }
0x10: {  	[smem:$0x3FB4] =	sst s8  }
0x11: {  	[smem:$0x3FB5] =	sst s9;
	s0 =	simm.s32 @!p0 $0x0  }
0x12: {  	s1 =	sld [smem:$0x3F9B];
	s0 =	simm.s32 @p0 $0x1  }
0x13: {  	[smem:$0x3FB6] =	sst s0;
	s0 =	simm.s32 @!p1 $0x0  }
0x14: {  	s2 =	sld [smem:$0x3F9A];
	s0 =	simm.s32 @p1 $0x1  }
0x15: {  	[smem:$0x3FB7] =	sst s0;
	s0 =	simm.s32 @!p2 $0x0  }
0x16: {  	s3 =	sld [smem:$0x3FDB];
	s0 =	simm.s32 @p2 $0x1  }
0x17: {  	s4 =	simm.s32 $0x1BF5;
	[smem:$0x3FB9] =	sst s0  }
0x18: {  	s0 =	sld [smem:$0x3F9C];
	_ =	swait.ge [sflag:s4], $0x0  }
0x19: {  	s7 =	sld [smem:$0x3F9D]  }
0x1a: {  	s8 =	sadd.s32 $0xFFFFE003, lr  }
0x1b: {  	s9 =	sadd.s32 $0xFFFFFEF7, lr;
	s5 =	simm.s32 $0xFFFFFFFF;
	p2 =	slt.u32 s8, $0xFFFFF086  }
0x1c: {  	p1 =	slt.u32 s9, $0xF7A;
	s5 =	simm.s32 @!p2 $0x0  }
0x1d: {  	s5 =	simm.s32 @p1 $0x1;
	p0 =	seq.s32 s7, s2  }
0x1e: {  	s7 =	smul.u32 @!p0 $0xF7A, s2;
	p2 =	seq.s32 @!p0 s5, $0x0  }
0x1f: {  	s9 =	smul.u32 $0xF7A, s1;
	s8 =	simm.s32 @!p0 $0x1BF5;
	p2 =	por !p2, p0  }
0x20: {  	[sflag:s8] =	ssyncset.s32 @!p0 $0xFFFFF086;
	s6 =	sadd.s32 @!p0 s3, s7;
	s7 =	simm.s32 @!p0 $0x108  }
0x21: {  	s3 =	sadd.s32 s3, s9;
	s6 =	sadd.s32 @!p0 $0x88, s6;
	s7 =	simm.s32 @p2 $0x1082  }
0x22: {  	[simem:s7], [sflag:s8] =	dma.local @!p0 [hbm:s6], $0xF7A  }
0x23: {  	s9 =	sor.u32 $0xD0000000, s2;
	s6 =	simm.s32 $0x108;
	_ =	swait.ge @!p0 [sflag:s8], $0x0  }
0x24: {  	s3 =	sadd.s32 $0x88, s3;
	s6 =	simm.s32 @!p1 $0x1082;
	[sflag:s4] =	ssyncset.s32 $0xFFFFF086  }
0x25: {  	[simem:s6], [sflag:s4] =	dma.local [hbm:s3], $0xF7A  }
0x26: {  	[smem:$0x3F9D] =	sst s1;
	(tag) =	ssettag s2;
	_ =	strace s9  }
0x27: {  	s1 =	sld [smem:$0x3FAD]  }
0x28: {  	s2 =	sld [smem:$0x3FAE]  }
0x29: {  	s4 =	sld [smem:$0x3FB0]  }
0x2a: {  	p0 =	seq.s32 s5, $0x0;
	s5 =	sld [smem:$0x3FB1]  }
0x2b: {  	s6 =	sld [smem:$0x3FB2]  }
0x2c: {  	s7 =	sld [smem:$0x3FB3]  }
0x2d: {  	s3 =	simm.s32 $0x108;
	s8 =	sld [smem:$0x3FB4]  }
0x2e: {  	s3 =	simm.s32 @!p0 $0x1082;
	s9 =	sld [smem:$0x3FB5]  }
0x2f: {  	lr =	sadd.s32 s0, s3;
	s0 =	sld [smem:$0x3FAC]  }
0x30: {  	s3 =	sld [smem:$0x3FAF]  }
0x31: {  	[smem:$0x3FB8] =	sst s10  }
0x32: {  	s10 =	sld [smem:$0x3FB6];
	_ =	sdelay $0x3  }
0x33: {  	p0 =	seq.s32 s10, $0x1;
	s10 =	sld [smem:$0x3FB8];
	_ =	sdelay $0x3  }
0x34: {  	[smem:$0x3FB8] =	sst s10  }
0x35: {  	s10 =	sld [smem:$0x3FB7];
	_ =	sdelay $0x3  }
0x36: {  	p1 =	seq.s32 s10, $0x1;
	s10 =	sld [smem:$0x3FB8];
	_ =	sdelay $0x3  }
0x37: {  	[smem:$0x3FB8] =	sst s10  }
0x38: {  	s10 =	sld [smem:$0x3FB9]  }
0x39: {  	_ = 	snop;
	(pc) =	sbr.ind lr, $3  }
0x3a: {  	_ = 	snop  }
0x3b: {  	_ = 	snop  }
0x3c: {  	p2 =	seq.s32 s10, $0x1;
	s10 =	sld [smem:$0x3FB8]  }
0x3d: {  	_ =	shalt  }
0x3e: {  	_ =	shalt  }
0x3f: {  	_ =	shalt  }
0x40: {  	_ =	shalt  }
0x41: {  	_ =	shalt  }
0x42: {  	_ =	shalt  }
0x43: {  	_ =	shalt  }
0x44: {  	_ =	shalt  }
0x45: {  	_ =	shalt  }
0x46: {  	_ =	shalt  }
0x47: {  	_ =	shalt  }
0x48: {  	_ =	shalt  }
0x49: {  	_ =	shalt  }
0x4a: {  	_ =	shalt  }
0x4b: {  	_ =	shalt  }
0x4c: {  	_ =	shalt  }
0x4d: {  	_ =	shalt  }
0x4e: {  	_ =	shalt  }
0x4f: {  	_ =	shalt  }
0x50: {  	_ =	shalt  }
0x51: {  	_ =	shalt  }
0x52: {  	_ =	shalt  }
0x53: {  	_ =	shalt  }
0x54: {  	_ =	shalt  }
0x55: {  	_ =	shalt  }
0x56: {  	_ =	shalt  }
0x57: {  	_ =	shalt  }
0x58: {  	_ =	shalt  }
0x59: {  	_ =	shalt  }
0x5a: {  	_ =	shalt  }
0x5b: {  	_ =	shalt  }
0x5c: {  	_ =	shalt  }
0x5d: {  	_ =	shalt  }
0x5e: {  	_ =	shalt  }
0x5f: {  	_ =	shalt  }
0x60: {  	_ =	shalt  }
0x61: {  	_ =	shalt  }
0x62: {  	_ =	shalt  }
0x63: {  	_ =	shalt  }
0x64: {  	_ =	shalt  }
0x65: {  	_ =	shalt  }
0x66: {  	_ =	shalt  }
0x67: {  	_ =	shalt  }
0x68: {  	_ =	shalt  }
0x69: {  	_ =	shalt  }
0x6a: {  	_ =	shalt  }
0x6b: {  	_ =	shalt  }
0x6c: {  	_ =	shalt  }
0x6d: {  	_ =	shalt  }
0x6e: {  	_ =	shalt  }
0x6f: {  	_ =	shalt  }
0x70: {  	_ =	shalt  }
0x71: {  	_ =	shalt  }
0x72: {  	_ =	shalt  }
0x73: {  	_ =	shalt  }
0x74: {  	_ =	shalt  }
0x75: {  	_ =	shalt  }
0x76: {  	_ =	shalt  }
0x77: {  	_ =	shalt  }
0x78: {  	_ =	shalt  }
0x79: {  	_ =	shalt  }
0x7a: {  	_ =	shalt  }
0x7b: {  	_ =	shalt  }
0x7c: {  	_ =	shalt  }
0x7d: {  	_ =	shalt  }
0x7e: {  	_ =	shalt  }
0x7f: {  	_ =	shalt  }
0x80: {  	_ =	shalt  }
0x81: {  	_ =	shalt  }
0x82: {  	_ =	shalt  }
0x83: {  	_ =	shalt  }
0x84: {  	_ =	shalt  }
0x85: {  	_ =	shalt  }
0x86: {  	_ =	shalt  }
0x87: {  	_ =	shalt  }
.Lfunc_end0:
.L_simem_size_0:
called_computation_lowered:
.L_overlay_start_0:
0x88: {  	s2 =	sld [smem:$0x3FD9]  }
0x89: {  	s3 =	sld [smem:$0x3FFE];
	_ =	sdelay $0x1  }
0x8a: {  	s1 =	srdreg.scid  }
0x8b: {  	s0 =	sand.u32 $0x1, s1  }
0x8c: {  	s17 =	sshll.u32 s0, $0xA;
	s2 =	sadd.s32 s3, s2  }
0x8d: {  	s2 =	sadd.s32 s2, s17  }
0x8e: {  	[smem:$0x3FC4] =	sst s2  }
0x8f: {  	_ = 	snop  }
0x90: {  	s2 =	sld [smem:$0x3FD0];
	(tm) =	ssettm $0x1  }
0x91: {  	s18 =	sld [smem:$0x3FFB];
	_ =	sdelay $0x3  }
0x92: {  	_ =	strace s18  }
0x93: {  	s3 =	sld [smem:$0x3FFC];
	_ =	sdelay $0x3  }
0x94: {  	_ =	strace s3  }
0x95: {  	s3 =	sld [smem:$0x3FFD];
	_ =	sdelay $0x3  }
0x96: {  	_ =	strace s3  }
0x97: {  	_ =	strace $0x8FFFFFFF  }
0x98: {  	s19 =	sld [smem:$0x3FDB];
	_ =	sdelay $0x1  }
0x99: {  	s4 =	simm.s32 $_scs_section_size  }
0x9a: {  	s5 =	simm.s32 $_size__tile_overlayer_lowered;
	s6 =	simm.s32 $_tile_overlayer_lowered  }
0x9b: {  	s22 =	simm.s32 $0x1BFF;
	s21 =	sshll.u32 s6, $0x1;
	s3 =	sadd.s32 s4, s19  }
0x9c: {  	s7 =	simm.s32 $0x0;
	s20 =	sshll.u32 s5, $0x1;
	s5 =	sadd.s32 s21, s3  }
0x9d: {  	[timem:s7], [sflag:s22] =	dma.local [hbm:s5], s20  }
0x9e: {  	_ =	swait.ge [sflag:s22], s20  }
0x9f: {  	s4 =	ssub.s32 $0x0, s20;
	[sflag:s22] =	ssyncset.done $0x0  }
0xa0: {  	[sflag:s22] =	ssyncadd.s32 s4;
	_ =	sdelay $0x1  }
0xa1: {  	s23 =	simm.s32 $0x1B8B  }
0xa2: {  	_ =	swait.ge [sflag:s23], $0x1  }
0xa3: {  	[sflag:s23] =	ssyncset.done $0x0  }
0xa4: {  	s25 =	simm.s32 $0x1B8E;
	s24 =	sld [smem:$0x3FFE];
	[sflag:s23] =	ssyncadd.s32 $0xFFFFFFFF  }
0xa5: {  	s26 =	simm.s32 $execute0_lowered;
	[smem:$0x3FD2] =	sst s25  }
0xa6: {  	s5 =	sshll.u32 s26, $0x1;
	_ =	strace $0x80000046;
	[dreg:$0x1] =	wrdreg $0xFFFFFFFF  }
0xa7: {  	s28 =	simm.s32 $_size_execute0_lowered;
	s3 =	sadd.s32 s3, s5;
	[dreg:$0x0] =	wrdreg $0x0  }
0xa8: {  	s5 =	sshll.u32 s28, $0x1;
	[dreg:$0x2] =	wrdreg s3  }
0xa9: {  	[dreg:$0x3] =	wrdreg s5  }
0xaa: {  	[dreg:$0x4] =	wrdreg $0xC0  }
0xab: {  	_ =	task [dreg:s7], $0x5FFFF  }
0xac: {  	[dreg:$0x1] =	wrdreg $0xFFFFFFFF  }
0xad: {  	[dreg:$0x0] =	wrdreg $0x60  }
0xae: {  	[dreg:$0x2] =	wrdreg s2  }
0xaf: {  	[dreg:$0x3] =	wrdreg s24  }
0xb0: {  	[dreg:$0x4] =	wrdreg $0x68000  }
0xb1: {  	[dreg:$0x5] =	wrdreg $0x9  }
0xb2: {  	_ =	task.clear_ibuf [dreg:s7], $0x6FFFF;
	_ =	strace $0x90000046  }
0xb3: {  	s29 =	simm.s32 $0x9;
	_ =	strace $0x80000048  }
0xb4: {  	_ =	swait.ge [sflag:s29], $0x1  }
0xb5: {  	[sflag:s29] =	ssyncadd.s32 $0xFFFFFFFF  }
0xb6: {  	_ =	strace $0x90000048  }
0xb7: {  	_ =	sfence  }
0xb8: {  	s30 =	sld [smem:$0x0];
	_ =	sdelay $0x2  }
0xb9: {  	s31 =	sshll.u32 s1, $0xD;
	s1 =	sshrl.u32 s1, $0x2  }
0xba: {  	s3 =	sand.u32 $0x4000, s31;
	s1 =	sadd.s32 s1, s30  }
0xbb: {  	s0 =	sor.u32 s3, s0;
	s1 =	sshll.u32 s1, $0x11  }
0xbc: {  	s0 =	sor.u32 s1, s0  }
0xbd: {  	s0 =	sadd.s32 $0x8F2B, s0  }
0xbe: {  	[sflag:s0] =	ssyncadd.remote.s32 $0x1  }
0xbf: {  	_ =	sfence.sel $0xFFFF  }
0xc0: {  	[dreg:$0x0] =	wrdreg $0xFFFFFFFF;
	(pc) =	sbr.abs _section_cstart, $3  }
0xc1: {  	[dreg:$0x1] =	wrdreg $0xFFFFFFFF  }
0xc2: {  	_ =	task.clear_ibuf [dreg:s7], $0x2FFFF;
	_ =	strace $0x9FFFFFFF  }
0xc3: {  	(tm) =	ssettm $0x7FFFFFFF  }
tec
execute0_lowered:
.L_overlay_start_1:
0x0: {  	(tag) =	ssettag $0x1  }
0x1: {  	s6 =	rddreg [dreg:$0x0]  }
0x2: {  	s5 =	rddreg [dreg:$0x1]  }
0x3: {  	s2 =	rddreg [dreg:$0x2];
	s0 =	stileid.u32  }
0x4: {  	s4 =	srdreg.scid;
	s1 =	rddreg [dreg:$0x3]  }
0x5: {  	s3 =	simm.s32 $0x0;
	s13 =	simm.s32 $0x80;
	s14 =	simm.s32 $0x1  }
0x6: {  	s15 =	simm.s32 $0x0;
	s7 =	smul.u32 $0x13C00, s0;
	s8 =	sand.u32 $0x1, s4  }
0x7: {  	[smem:$0x7FF] =	sst s3;
	s4 =	sadd.s32 $0x1600, s5;
	s28 =	smul.u32 $0x4F000, s0  }
0x8: {  	s11 =	sshll.u32 s0, $0x1;
	s31 =	sshll.u32 s0, $0x6;
	s10 =	smul.u32 $0x13C000, s8  }
0x9: {  	_ =	strace $0x80000047;
	s12 =	ssub.s32 $0x2, s8;
	s8 =	sor.u32 s8, s11  }
0xa: {  	s9 =	sshrl.u32 s7, $0x3;
	s29 =	sshrl.u32 s12, $0x1;
	s8 =	smul.u32 $0x500, s8  }
0xb: {  	s9 =	sadd.s32 s9, s5;
	s7 =	sadd.s32 s7, s10;
	s10 =	sshrl.u32 s28, $0x2  }
0xc: {  	s11 =	ssub.s32 s12, s29;
	s7 =	sshrl.u32 s7, $0x3;
	s30 =	sadd.s32 s10, s2  }
0xd: {  	s6 =	sadd.s32 s6, s8;
	s8 =	smax.u32 s11, $0x1;
	s10 =	simm.s32 $0x2  }
0xe: {  	s11 =	sor.u32 $0x1C02, s31;
	s7 =	sadd.s32 s7, s5;
	s5 =	sadd.s32 $0x1E00, s9  }
0xf: {  	s9 =	simm.s32 $0x2800;
	s12 =	sshrl.u32 s30, $0x3;
	s7 =	sadd.s32 $0x29600, s7  }
.LBB2_1:
0x10: {  	[tilespmem:s9], [sflag:$0x2] =	stream.linear.gather [hbm4b:s4+s3], $0x4000, $0x38;
	[tilespmem:$0x1A400] =	vst v63  }
0x11: {  	_ =	swait.ge [sflag:s10], $0x4000  }
0x12: {  	[sflag:s10] =	ssyncset.done $0x0  }
0x13: {  	[sflag:s10] =	ssyncadd.s32 $0xFFFFC000  }
0x14: {  	[spmem:s12], [sflag:s11] =	dma.local [hbm:s5], $0x2780  }
0x15: {  	_ =	swait.ge [sflag:s10], $0x2780  }
0x16: {  	[sflag:s10] =	ssyncset.done $0x0  }
0x17: {  	[sflag:s10] =	ssyncadd.s32 $0xFFFFD880  }
0x18: {  	[tilespmem:s3], [sflag:$0x2] =	stream.linear.gather [hbm4b:s6+s3], $0x2800, $0x38;
	[tilespmem:$0x1A400] =	vst v63  }
0x19: {  	_ =	swait.ge [sflag:s10], $0x2800  }
0x1a: {  	[sflag:s10] =	ssyncset.done $0x0  }
0x1b: {  	[sflag:s10] =	ssyncadd.s32 $0xFFFFD800  }
0x1c: {  	s16 =	simm.s32 $0x0;
	[bflag:$0x0] =	sbarrier.arrive $0xFFFF  }
.LBB2_2:
0x1d: {  	p0 =	sne.s32 s16, $0x9E00  }
.Ltmp0:
0x1e: {  	_ = 	snop;
	(pc) =	sbr.rel @p0 .LBB2_2-.Ltmp0, $3  }
0x1f: {  	_ =	sdelay $0x1  }
0x20: {  	s17 =	sshra.s32 s16, $0x2;
	s16 =	sadd.s32 $0x200, s16  }
0x21: {  	[spmem:s2] =	stream.indirect.scatter.add.f32 [tilespmem:s9], [sflag:$0x1], $0x80, s17, s13, $0xb8;
	[tilespmem:$0x1A400] =	vst v63  }
0x22: {  	_ =	swait.ge [sflag:s14], $0x4000  }
0x23: {  	s16 =	simm.s32 $0x4F;
	[sflag:s14] =	ssyncset.done $0x0  }
.LBB2_4:
0x24: {  	p0 =	sne.s32 s16, $0x1;
	s16 =	sadd.s32 $0xFFFFFFFF, s16;
	[sflag:s14] =	ssyncadd.s32 $0xFFFFC000  }
.Ltmp1:
0x25: {  	(pc) =	sbr.rel @p0 .LBB2_4-.Ltmp1, $3  }
0x26: {  	_ =	sdelay $0x1  }
0x27: {  	_ =	swait.ge [sflag:s14], $0x4000  }
0x28: {  	[sflag:s14] =	ssyncset.done $0x0  }
0x29: {  	s15 =	sadd.s32 $0x1, s15  }
0x2a: {  	[sflag:s14] =	ssyncadd.s32 $0xFFFFC000;
	p0 =	sne.s32 s15, s8  }
.Ltmp2:
0x2b: {  	[bflag:$0x0] =	sbarrier.arrive $0xFFFF;
	(pc) =	sbr.rel @p0 .LBB2_1-.Ltmp2, $4  }
0x2c: {  	[hbm:s7], [sflag:s11] =	dma.local [spmem:s12], $0x2780  }
0x2d: {  	_ =	swait.ge [sflag:s10], $0x2780  }
0x2e: {  	[sflag:s10] =	ssyncset.done $0x0  }
0x2f: {  	[sflag:s10] =	ssyncadd.s32 $0xFFFFD880  }
0x30: {  	_ =	sfence.sel $0x180000  }
0x31: {  	[bflag:$0x0] =	sbarrier.arrive $0xFFFF  }
0x32: {  	p0 =	sne.s32 s0, $0x0;
	_ =	strace $0x90000047  }
0x33: {  	s0 =	sadd.s32 @!p0 $0x100000, s1;
	[bflag:$0x2] =	sbarrier.arrive $0xFFFF  }
0x34: {  	[sflag:s0] =	ssyncadd.tile.s32 @!p0 $0x1;
	_ =	shalt  }
.Lfunc_end2:
_tile_overlayer_lowered:
.L_overlay_start_2:
0x35: {  	(tag) =	ssettag $0x2  }
0x36: {  	s0 =	rddreg [dreg:$0x0];
	s2 =	stileid.u32  }
0x37: {  	s1 =	rddreg [dreg:$0x1];
	p0 =	sne.s32 s2, $0x0  }
0x38: {  	s3 =	rddreg [dreg:$0x2];
	[bflag:$0x3] =	sbarrier.arrive $0xFFFF;
	s2 =	simm.s32 @!p0 $0x1C02  }
0x39: {  	[timem:s3], [sflag:s2] =	dma.local @!p0 [hbm:s0], s1  }
0x3a: {  	s0 =	simm.s32 @!p0 $0x2  }
0x3b: {  	_ =	swait.ge @!p0 [sflag:s0], s1  }
0x3c: {  	s1 =	ssub.s32 @!p0 $0x0, s1;
	[sflag:s0] =	ssyncset.done @!p0 $0x0  }
0x3d: {  	[sflag:s0] =	ssyncadd.s32 @!p0 s1  }
0x3e: {  	[bflag:$0x3] =	sbarrier.arrive $0xFFFF  }
0x3f: {  	_ =	shalt  }

// kernel: kernel.9.cloned.1.call-start
scs
__scs_entry_jumppad:
0x0: {  	(pc) =	sbr.rel $0x88, $3  }
0x1: {  	(tag) =	ssettag $0x0;
	lr =	simm.s32 $0x1  }
0x2: {  	[smem:$0x3F9D] =	sst lr;
	_ =	strace $0xD0000000  }
0x3: {  	_ = 	snop  }
0x4: {  	_ = 	snop  }
0x5: {  	_ = 	snop  }
0x6: {  	_ = 	snop  }
0x7: {  	_ = 	snop  }
__scs_overlays_trampoline_lowered:
0x8: {  	[smem:$0x3FAC] =	sst s0  }
0x9: {  	[smem:$0x3FAD] =	sst s1  }
0xa: {  	[smem:$0x3FAE] =	sst s2  }
0xb: {  	[smem:$0x3FAF] =	sst s3  }
0xc: {  	[smem:$0x3FB0] =	sst s4  }
0xd: {  	[smem:$0x3FB1] =	sst s5  }
0xe: {  	[smem:$0x3FB2] =	sst s6  }
0xf: {  	[smem:$0x3FB3] =	sst s7  }
0x10: {  	[smem:$0x3FB4] =	sst s8  }
0x11: {  	[smem:$0x3FB5] =	sst s9;
	s0 =	simm.s32 @!p0 $0x0  }
0x12: {  	s1 =	sld [smem:$0x3F9B];
	s0 =	simm.s32 @p0 $0x1  }
0x13: {  	[smem:$0x3FB6] =	sst s0;
	s0 =	simm.s32 @!p1 $0x0  }
0x14: {  	s2 =	sld [smem:$0x3F9A];
	s0 =	simm.s32 @p1 $0x1  }
0x15: {  	[smem:$0x3FB7] =	sst s0;
	s0 =	simm.s32 @!p2 $0x0  }
0x16: {  	s3 =	sld [smem:$0x3FDB];
	s0 =	simm.s32 @p2 $0x1  }
0x17: {  	s4 =	simm.s32 $0x1BF5;
	[smem:$0x3FB9] =	sst s0  }
0x18: {  	s0 =	sld [smem:$0x3F9C];
	_ =	swait.ge [sflag:s4], $0x0  }
0x19: {  	s7 =	sld [smem:$0x3F9D]  }
0x1a: {  	s8 =	sadd.s32 $0xFFFFE003, lr  }
0x1b: {  	s9 =	sadd.s32 $0xFFFFFEF7, lr;
	s5 =	simm.s32 $0xFFFFFFFF;
	p2 =	slt.u32 s8, $0xFFFFF086  }
0x1c: {  	p1 =	slt.u32 s9, $0xF7A;
	s5 =	simm.s32 @!p2 $0x0  }
0x1d: {  	s5 =	simm.s32 @p1 $0x1;
	p0 =	seq.s32 s7, s2  }
0x1e: {  	s7 =	smul.u32 @!p0 $0xF7A, s2;
	p2 =	seq.s32 @!p0 s5, $0x0  }
0x1f: {  	s9 =	smul.u32 $0xF7A, s1;
	s8 =	simm.s32 @!p0 $0x1BF5;
	p2 =	por !p2, p0  }
0x20: {  	[sflag:s8] =	ssyncset.s32 @!p0 $0xFFFFF086;
	s6 =	sadd.s32 @!p0 s3, s7;
	s7 =	simm.s32 @!p0 $0x108  }
0x21: {  	s3 =	sadd.s32 s3, s9;
	s6 =	sadd.s32 @!p0 $0x88, s6;
	s7 =	simm.s32 @p2 $0x1082  }
0x22: {  	[simem:s7], [sflag:s8] =	dma.local @!p0 [hbm:s6], $0xF7A  }
0x23: {  	s9 =	sor.u32 $0xD0000000, s2;
	s6 =	simm.s32 $0x108;
	_ =	swait.ge @!p0 [sflag:s8], $0x0  }
0x24: {  	s3 =	sadd.s32 $0x88, s3;
	s6 =	simm.s32 @!p1 $0x1082;
	[sflag:s4] =	ssyncset.s32 $0xFFFFF086  }
0x25: {  	[simem:s6], [sflag:s4] =	dma.local [hbm:s3], $0xF7A  }
0x26: {  	[smem:$0x3F9D] =	sst s1;
	(tag) =	ssettag s2;
	_ =	strace s9  }
0x27: {  	s1 =	sld [smem:$0x3FAD]  }
0x28: {  	s2 =	sld [smem:$0x3FAE]  }
0x29: {  	s4 =	sld [smem:$0x3FB0]  }
0x2a: {  	p0 =	seq.s32 s5, $0x0;
	s5 =	sld [smem:$0x3FB1]  }
0x2b: {  	s6 =	sld [smem:$0x3FB2]  }
0x2c: {  	s7 =	sld [smem:$0x3FB3]  }
0x2d: {  	s3 =	simm.s32 $0x108;
	s8 =	sld [smem:$0x3FB4]  }
0x2e: {  	s3 =	simm.s32 @!p0 $0x1082;
	s9 =	sld [smem:$0x3FB5]  }
0x2f: {  	lr =	sadd.s32 s0, s3;
	s0 =	sld [smem:$0x3FAC]  }
0x30: {  	s3 =	sld [smem:$0x3FAF]  }
0x31: {  	[smem:$0x3FB8] =	sst s10  }
0x32: {  	s10 =	sld [smem:$0x3FB6];
	_ =	sdelay $0x3  }
0x33: {  	p0 =	seq.s32 s10, $0x1;
	s10 =	sld [smem:$0x3FB8];
	_ =	sdelay $0x3  }
0x34: {  	[smem:$0x3FB8] =	sst s10  }
0x35: {  	s10 =	sld [smem:$0x3FB7];
	_ =	sdelay $0x3  }
0x36: {  	p1 =	seq.s32 s10, $0x1;
	s10 =	sld [smem:$0x3FB8];
	_ =	sdelay $0x3  }
0x37: {  	[smem:$0x3FB8] =	sst s10  }
0x38: {  	s10 =	sld [smem:$0x3FB9]  }
0x39: {  	_ = 	snop;
	(pc) =	sbr.ind lr, $3  }
0x3a: {  	_ = 	snop  }
0x3b: {  	_ = 	snop  }
0x3c: {  	p2 =	seq.s32 s10, $0x1;
	s10 =	sld [smem:$0x3FB8]  }
0x3d: {  	_ =	shalt  }
0x3e: {  	_ =	shalt  }
0x3f: {  	_ =	shalt  }
0x40: {  	_ =	shalt  }
0x41: {  	_ =	shalt  }
0x42: {  	_ =	shalt  }
0x43: {  	_ =	shalt  }
0x44: {  	_ =	shalt  }
0x45: {  	_ =	shalt  }
0x46: {  	_ =	shalt  }
0x47: {  	_ =	shalt  }
0x48: {  	_ =	shalt  }
0x49: {  	_ =	shalt  }
0x4a: {  	_ =	shalt  }
0x4b: {  	_ =	shalt  }
0x4c: {  	_ =	shalt  }
0x4d: {  	_ =	shalt  }
0x4e: {  	_ =	shalt  }
0x4f: {  	_ =	shalt  }
0x50: {  	_ =	shalt  }
0x51: {  	_ =	shalt  }
0x52: {  	_ =	shalt  }
0x53: {  	_ =	shalt  }
0x54: {  	_ =	shalt  }
0x55: {  	_ =	shalt  }
0x56: {  	_ =	shalt  }
0x57: {  	_ =	shalt  }
0x58: {  	_ =	shalt  }
0x59: {  	_ =	shalt  }
0x5a: {  	_ =	shalt  }
0x5b: {  	_ =	shalt  }
0x5c: {  	_ =	shalt  }
0x5d: {  	_ =	shalt  }
0x5e: {  	_ =	shalt  }
0x5f: {  	_ =	shalt  }
0x60: {  	_ =	shalt  }
0x61: {  	_ =	shalt  }
0x62: {  	_ =	shalt  }
0x63: {  	_ =	shalt  }
0x64: {  	_ =	shalt  }
0x65: {  	_ =	shalt  }
0x66: {  	_ =	shalt  }
0x67: {  	_ =	shalt  }
0x68: {  	_ =	shalt  }
0x69: {  	_ =	shalt  }
0x6a: {  	_ =	shalt  }
0x6b: {  	_ =	shalt  }
0x6c: {  	_ =	shalt  }
0x6d: {  	_ =	shalt  }
0x6e: {  	_ =	shalt  }
0x6f: {  	_ =	shalt  }
0x70: {  	_ =	shalt  }
0x71: {  	_ =	shalt  }
0x72: {  	_ =	shalt  }
0x73: {  	_ =	shalt  }
0x74: {  	_ =	shalt  }
0x75: {  	_ =	shalt  }
0x76: {  	_ =	shalt  }
0x77: {  	_ =	shalt  }
0x78: {  	_ =	shalt  }
0x79: {  	_ =	shalt  }
0x7a: {  	_ =	shalt  }
0x7b: {  	_ =	shalt  }
0x7c: {  	_ =	shalt  }
0x7d: {  	_ =	shalt  }
0x7e: {  	_ =	shalt  }
0x7f: {  	_ =	shalt  }
0x80: {  	_ =	shalt  }
0x81: {  	_ =	shalt  }
0x82: {  	_ =	shalt  }
0x83: {  	_ =	shalt  }
0x84: {  	_ =	shalt  }
0x85: {  	_ =	shalt  }
0x86: {  	_ =	shalt  }
0x87: {  	_ =	shalt  }
.Lfunc_end0:
.L_simem_size_0:
called_computation.1_lowered:
.L_overlay_start_0:
0x88: {  	s2 =	sld [smem:$0x3FD9]  }
0x89: {  	s3 =	sld [smem:$0x3FFE];
	_ =	sdelay $0x1  }
0x8a: {  	s1 =	srdreg.scid  }
0x8b: {  	s0 =	sand.u32 $0x1, s1  }
0x8c: {  	s16 =	sshll.u32 s0, $0xA;
	s2 =	sadd.s32 s3, s2  }
0x8d: {  	s2 =	sadd.s32 s2, s16  }
0x8e: {  	[smem:$0x3FC4] =	sst s2  }
0x8f: {  	_ = 	snop  }
0x90: {  	(tm) =	ssettm $0x1  }
0x91: {  	s17 =	sld [smem:$0x3FFB];
	_ =	sdelay $0x3  }
0x92: {  	_ =	strace s17  }
0x93: {  	s2 =	sld [smem:$0x3FFC];
	_ =	sdelay $0x3  }
0x94: {  	_ =	strace s2  }
0x95: {  	s2 =	sld [smem:$0x3FFD];
	_ =	sdelay $0x3  }
0x96: {  	_ =	strace s2  }
0x97: {  	_ =	strace $0x8FFFFFFF  }
0x98: {  	s18 =	sld [smem:$0x3FDB];
	_ =	sdelay $0x1  }
0x99: {  	s19 =	simm.s32 $_scs_section_size  }
0x9a: {  	s4 =	simm.s32 $_size__tile_overlayer_lowered;
	s5 =	simm.s32 $_tile_overlayer_lowered  }
0x9b: {  	s22 =	simm.s32 $0x1BFF;
	s21 =	sshll.u32 s5, $0x1;
	s2 =	sadd.s32 s19, s18  }
0x9c: {  	s6 =	simm.s32 $0x0;
	s20 =	sshll.u32 s4, $0x1;
	s4 =	sadd.s32 s21, s2  }
0x9d: {  	[timem:s6], [sflag:s22] =	dma.local [hbm:s4], s20  }
0x9e: {  	_ =	swait.ge [sflag:s22], s20  }
0x9f: {  	s3 =	ssub.s32 $0x0, s20;
	[sflag:s22] =	ssyncset.done $0x0  }
0xa0: {  	[sflag:s22] =	ssyncadd.s32 s3;
	_ =	sdelay $0x1  }
0xa1: {  	s23 =	simm.s32 $0x1B8B  }
0xa2: {  	_ =	swait.ge [sflag:s23], $0x1  }
0xa3: {  	[sflag:s23] =	ssyncset.done $0x0  }
0xa4: {  	s25 =	simm.s32 $0x1B8E;
	s24 =	sld [smem:$0x3FFE];
	[sflag:s23] =	ssyncadd.s32 $0xFFFFFFFF  }
0xa5: {  	s26 =	simm.s32 $execute0_lowered;
	[smem:$0x3FD2] =	sst s25  }
0xa6: {  	s4 =	sshll.u32 s26, $0x1;
	_ =	strace $0x80000049;
	[dreg:$0x1] =	wrdreg $0xFFFFFFFF  }
0xa7: {  	s28 =	simm.s32 $_size_execute0_lowered;
	s2 =	sadd.s32 s2, s4;
	[dreg:$0x0] =	wrdreg $0x0  }
0xa8: {  	s4 =	sshll.u32 s28, $0x1;
	[dreg:$0x2] =	wrdreg s2  }
0xa9: {  	[dreg:$0x3] =	wrdreg s4  }
0xaa: {  	[dreg:$0x4] =	wrdreg $0xC0  }
0xab: {  	_ =	task [dreg:s6], $0x5FFFF  }
0xac: {  	[dreg:$0x1] =	wrdreg $0xFFFFFFFF  }
0xad: {  	[dreg:$0x0] =	wrdreg $0x60  }
0xae: {  	[dreg:$0x2] =	wrdreg s24  }
0xaf: {  	[dreg:$0x3] =	wrdreg $0xA8000  }
0xb0: {  	[dreg:$0x4] =	wrdreg $0x9  }
0xb1: {  	_ =	task.clear_ibuf [dreg:s6], $0x5FFFF;
	_ =	strace $0x90000049  }
0xb2: {  	s29 =	simm.s32 $0x9;
	_ =	strace $0x8000004B  }
0xb3: {  	_ =	swait.ge [sflag:s29], $0x1  }
0xb4: {  	[sflag:s29] =	ssyncadd.s32 $0xFFFFFFFF  }
0xb5: {  	_ =	strace $0x9000004B  }
0xb6: {  	_ =	sfence  }
0xb7: {  	s30 =	sld [smem:$0x0];
	_ =	sdelay $0x2  }
0xb8: {  	s31 =	sshll.u32 s1, $0xD;
	s1 =	sshrl.u32 s1, $0x2  }
0xb9: {  	s3 =	sand.u32 $0x4000, s31;
	s1 =	sadd.s32 s1, s30  }
0xba: {  	s0 =	sor.u32 s3, s0;
	s1 =	sshll.u32 s1, $0x11  }
0xbb: {  	s0 =	sor.u32 s1, s0  }
0xbc: {  	s0 =	sadd.s32 $0x8F2B, s0  }
0xbd: {  	[sflag:s0] =	ssyncadd.remote.s32 $0x1  }
0xbe: {  	_ =	sfence.sel $0xFFFF  }
0xbf: {  	[dreg:$0x0] =	wrdreg $0xFFFFFFFF;
	(pc) =	sbr.abs _section_cstart, $3  }
0xc0: {  	[dreg:$0x1] =	wrdreg $0xFFFFFFFF  }
0xc1: {  	_ =	task.clear_ibuf [dreg:s6], $0x2FFFF;
	_ =	strace $0x9FFFFFFF  }
0xc2: {  	(tm) =	ssettm $0x7FFFFFFF  }
0xc3: {  	_ =	shalt  }
tec
execute0_lowered:
.L_overlay_start_1:
0x0: {  	(tag) =	ssettag $0x1  }
0x1: {  	s5 =	rddreg [dreg:$0x0]  }
0x2: {  	s2 =	rddreg [dreg:$0x1]  }
0x3: {  	s0 =	rddreg [dreg:$0x2]  }
0x4: {  	s1 =	stileid.u32;
	s4 =	srdreg.scid;
	s3 =	simm.s32 $0x0  }
0x5: {  	s19 =	simm.s32 $0x1400;
	s20 =	simm.s32 $0x80;
	s21 =	simm.s32 $0x2800  }
0x6: {  	s22 =	simm.s32 $0x1;
	s23 =	simm.s32 $0x6800;
	s6 =	smul.u32 $0x280, s1  }
0x7: {  	s24 =	simm.s32 $0x2;
	s28 =	simm.s32 $0x0;
	s7 =	smul.u32 $0x13C00, s1  }
0x8: {  	s8 =	sand.u32 $0x1, s4;
	[smem:$0x7FF] =	sst s3;
	s26 =	smul.u32 $0x4F000, s1  }
0x9: {  	s4 =	sadd.s32 $0x29600, s5;
	s11 =	sadd.s32 $0x84E00, s5;
	s10 =	smul.u32 $0x3C00, s1  }
0xa: {  	s12 =	sadd.s32 $0x7D600, s5;
	s31 =	sshll.u32 s1, $0x6;
	s9 =	smul.u32 $0x13C000, s8  }
0xb: {  	_ =	strace $0x8000004A;
	s29 =	ssub.s32 $0x2, s8;
	p0 =	seq.s32 s8, $0x1  }
0xc: {  	s14 =	sadd.s32 s6, s5;
	s30 =	sshrl.u32 s29, $0x1;
	s10 =	sshrl.u32 s10, $0x3  }
0xd: {  	s25 =	sadd.s32 s7, s9;
	s7 =	sshrl.u32 s7, $0x3;
	s9 =	sshrl.u32 s26, $0x2  }
0xe: {  	s16 =	ssub.s32 s29, s30;
	s13 =	sadd.s32 $0x280, s10;
	s8 =	sadd.s32 s12, s10  }
0xf: {  	s18 =	sadd.s32 $0x500, s10;
	s26 =	simm.s32 $0x1480;
	s6 =	sshrl.u32 s25, $0x3  }
0x10: {  	s7 =	sadd.s32 s7, s5;
	s17 =	sadd.s32 s9, s2;
	s9 =	sadd.s32 s11, s13  }
.Ltmp0:
0x11: {  	s16 =	smax.u32 s16, $0x1;
	s25 =	simm.s32 $0x100;
	(pc) =	sbr.rel .LBB2_1-.Ltmp0, $4  }
0x12: {  	s15 =	sadd.s32 s6, s5;
	s5 =	sadd.s32 $0x1E00, s7;
	s6 =	sor.u32 $0x1C03, s31  }
0x13: {  	s7 =	sadd.s32 s11, s10;
	s10 =	sadd.s32 s12, s13;
	s11 =	sadd.s32 s11, s18  }
0x14: {  	s12 =	sadd.s32 s12, s18;
	s13 =	sadd.s32 $0x78600, s14;
	s14 =	sadd.s32 $0x7AE00, s14  }
0x15: {  	s17 =	sshrl.u32 s17, $0x3;
	s18 =	simm.s32 $0x3;
	s15 =	sadd.s32 $0x8C600, s15  }
.LBB2_15:
0x16: {  	s29 =	sadd.s32 $0x4E00, s29  }
.LBB2_16:
0x17: {  	s29 =	sshra.s32 s29, $0x2  }
0x18: {  	s29 =	sadd.s32 $0x1400, s29  }
0x19: {  	[spmem:s2] =	stream.indirect.scatter.add.f32 [tilespmem:s23], [sflag:$0x2], $0x80, s29, s20, $0xb8;
	[tilespmem:$0x1E400] =	vst v63  }
0x1a: {  	_ =	swait.ge [sflag:s24], $0x4000  }
0x1b: {  	s28 =	sadd.s32 $0x1, s28;
	[sflag:s24] =	ssyncset.done $0x0  }
0x1c: {  	p1 =	sne.s32 s28, s16;
	[sflag:s24] =	ssyncadd.s32 $0xFFFFC000  }
.Ltmp1:
0x1d: {  	[bflag:$0x0] =	sbarrier.arrive $0xFFFF;
	(pc) =	sbr.rel @!p1 .LBB2_17-.Ltmp1, $4  }
0x1e: {  	[hbm:s15], [sflag:s6] =	dma.local [spmem:s17], $0x2780  }
0x1f: {  	_ =	swait.ge [sflag:s18], $0x2780  }
0x20: {  	[sflag:s18] =	ssyncset.done $0x0  }
0x21: {  	[sflag:s18] =	ssyncadd.s32 $0xFFFFD880  }
.LBB2_1:
0x22: {  	[spmem:s17], [sflag:s6] =	dma.local [hbm:s5], $0x2780  }
.Ltmp2:
0x23: {  	_ =	swait.ge [sflag:s18], $0x2780;
	(pc) =	sbr.rel @!p0 .LBB2_2-.Ltmp2, $3  }
0x24: {  	[sflag:s18] =	ssyncset.done $0x0  }
0x25: {  	[sflag:s18] =	ssyncadd.s32 $0xFFFFD880  }
0x26: {  	[bflag:$0x0] =	sbarrier.arrive $0xFFFF;
	_ =	sdelay $0x1  }
0x27: {  	[tilespmem:s3], [sflag:$0x3] =	stream.linear.gather [hbm4b:s13+s3], $0x1400, $0x38;
	[tilespmem:$0x1E400] =	vst v63  }
0x28: {  	_ =	swait.ge [sflag:s18], $0x1400  }
0x29: {  	[sflag:s18] =	ssyncset.done $0x0  }
0x2a: {  	[sflag:s18] =	ssyncadd.s32 $0xFFFFEC00  }
0x2b: {  	[tilespmem:s19], [sflag:$0x3] =	stream.linear.gather [hbm4b:s14+s3], $0x1400, $0x38;
	[tilespmem:$0x1E400] =	vst v63  }
0x2c: {  	_ =	swait.ge [sflag:s18], $0x1400  }
0x2d: {  	[sflag:s18] =	ssyncset.done $0x0  }
0x2e: {  	[sflag:s18] =	ssyncadd.s32 $0xFFFFEC00  }
0x2f: {  	[tilespmem:s21], [sflag:$0x1] =	stream.indirect.gather [hbm4b:s4+s20], $0x80, s3, s20, $0xb8;
	[tilespmem:$0x1E400] =	vst v63  }
0x30: {  	_ =	swait.ge [sflag:s22], $0x4000  }
0x31: {  	[sflag:s22] =	ssyncset.done $0x0  }
0x32: {  	[sflag:s22] =	ssyncadd.s32 $0xFFFFC000  }
0x33: {  	[tilespmem:s23], [sflag:$0x1] =	stream.indirect.gather [hbm4b:s4+s20], $0x80, s20, s20, $0xb8;
	[tilespmem:$0x1E400] =	vst v63  }
0x34: {  	_ = 	snop  }
0x35: {  	[spmem:s2] =	stream.indirect.scatter.add.f32 [tilespmem:s21], [sflag:$0x2], $0x80, s19, s20, $0xb8;
	[tilespmem:$0x1E400] =	vst v63  }
0x36: {  	_ =	swait.ge [sflag:s22], $0x4000  }
0x37: {  	[sflag:s22] =	ssyncset.done $0x0  }
0x38: {  	[sflag:s22] =	ssyncadd.s32 $0xFFFFC000  }
0x39: {  	_ =	swait.ge [sflag:s24], $0x4000  }
0x3a: {  	[sflag:s24] =	ssyncset.done $0x0  }
0x3b: {  	[sflag:s24] =	ssyncadd.s32 $0xFFFFC000  }
0x3c: {  	[tilespmem:s21], [sflag:$0x1] =	stream.indirect.gather [hbm4b:s4+s20], $0x80, s25, s20, $0xb8;
	[tilespmem:$0x1E400] =	vst v63  }
0x3d: {  	s29 =	simm.s32 $0xFFFFB800  }
0x3e: {  	[spmem:s2] =	stream.indirect.scatter.add.f32 [tilespmem:s23], [sflag:$0x2], $0x80, s26, s20, $0xb8;
	[tilespmem:$0x1E400] =	vst v63  }
.LBB2_12:
0x3f: {  	_ =	swait.ge [sflag:s22], $0x4000  }
0x40: {  	[sflag:s22] =	ssyncset.done $0x0  }
0x41: {  	[sflag:s22] =	ssyncadd.s32 $0xFFFFC000  }
0x42: {  	_ =	swait.ge [sflag:s24], $0x4000  }
0x43: {  	s30 =	sshra.s32 s29, $0x2;
	[sflag:s24] =	ssyncset.done $0x0  }
0x44: {  	s31 =	sadd.s32 $0x1380, s30;
	[sflag:s24] =	ssyncadd.s32 $0xFFFFC000  }
0x45: {  	[tilespmem:s23], [sflag:$0x1] =	stream.indirect.gather [hbm4b:s4+s20], $0x80, s31, s20, $0xb8;
	[tilespmem:$0x1E400] =	vst v63  }
0x46: {  	s31 =	sadd.s32 $0x2700, s30  }
0x47: {  	[spmem:s2] =	stream.indirect.scatter.add.f32 [tilespmem:s21], [sflag:$0x2], $0x80, s31, s20, $0xb8;
	[tilespmem:$0x1E400] =	vst v63  }
0x48: {  	p1 =	seq.s32 s29, $0x0;
	_ =	swait.ge [sflag:s22], $0x4000  }
.Ltmp3:
0x49: {  	[sflag:s22] =	ssyncset.done $0x0;
	(pc) =	sbr.rel @p1 .LBB2_14-.Ltmp3, $4  }
0x4a: {  	[sflag:s22] =	ssyncadd.s32 $0xFFFFC000  }
0x4b: {  	_ =	swait.ge [sflag:s24], $0x4000  }
0x4c: {  	[sflag:s24] =	ssyncset.done $0x0  }
0x4d: {  	[sflag:s24] =	ssyncadd.s32 $0xFFFFC000  }
.Ltmp4:
0x4e: {  	(pc) =	sbr.rel .LBB2_12-.Ltmp4, $4  }
0x4f: {  	s31 =	sadd.s32 $0x1400, s30  }
0x50: {  	[tilespmem:s21], [sflag:$0x1] =	stream.indirect.gather [hbm4b:s4+s20], $0x80, s31, s20, $0xb8;
	[tilespmem:$0x1E400] =	vst v63  }
0x51: {  	s29 =	sadd.s32 $0x400, s29;
	s31 =	sadd.s32 $0x2780, s30  }
0x52: {  	[spmem:s2] =	stream.indirect.scatter.add.f32 [tilespmem:s23], [sflag:$0x2], $0x80, s31, s20, $0xb8;
	[tilespmem:$0x1E400] =	vst v63  }
.LBB2_2:
0x53: {  	[tilespmem:s3], [sflag:$0x3] =	stream.linear.gather [hbm4b:s7+s3], $0x1400, $0x38;
	[tilespmem:$0x1E400] =	vst v63  }
0x54: {  	_ =	swait.ge [sflag:s18], $0x1400  }
0x55: {  	[sflag:s18] =	ssyncset.done $0x0  }
0x56: {  	[sflag:s18] =	ssyncadd.s32 $0xFFFFEC00  }
0x57: {  	[tilespmem:s19], [sflag:$0x3] =	stream.linear.gather [hbm4b:s8+s3], $0x1400, $0x38;
	[tilespmem:$0x1E400] =	vst v63  }
0x58: {  	_ =	swait.ge [sflag:s18], $0x1400  }
0x59: {  	[sflag:s18] =	ssyncset.done $0x0  }
0x5a: {  	[sflag:s18] =	ssyncadd.s32 $0xFFFFEC00  }
0x5b: {  	[tilespmem:s21], [sflag:$0x1] =	stream.indirect.gather [hbm4b:s4+s20], $0x80, s3, s20, $0xb8;
	[tilespmem:$0x1E400] =	vst v63  }
0x5c: {  	_ =	swait.ge [sflag:s22], $0x4000  }
0x5d: {  	[sflag:s22] =	ssyncset.done $0x0  }
0x5e: {  	[sflag:s22] =	ssyncadd.s32 $0xFFFFC000  }
0x5f: {  	[tilespmem:s23], [sflag:$0x1] =	stream.indirect.gather [hbm4b:s4+s20], $0x80, s20, s20, $0xb8;
	[tilespmem:$0x1E400] =	vst v63  }
0x60: {  	_ = 	snop  }
0x61: {  	[spmem:s2] =	stream.indirect.scatter.add.f32 [tilespmem:s21], [sflag:$0x2], $0x80, s19, s20, $0xb8;
	[tilespmem:$0x1E400] =	vst v63  }
0x62: {  	_ =	swait.ge [sflag:s22], $0x4000  }
0x63: {  	[sflag:s22] =	ssyncset.done $0x0  }
0x64: {  	[sflag:s22] =	ssyncadd.s32 $0xFFFFC000  }
0x65: {  	_ =	swait.ge [sflag:s24], $0x4000  }
0x66: {  	[sflag:s24] =	ssyncset.done $0x0  }
0x67: {  	[sflag:s24] =	ssyncadd.s32 $0xFFFFC000  }
0x68: {  	[tilespmem:s21], [sflag:$0x1] =	stream.indirect.gather [hbm4b:s4+s20], $0x80, s25, s20, $0xb8;
	[tilespmem:$0x1E400] =	vst v63  }
0x69: {  	s29 =	simm.s32 $0xFFFFB800  }
0x6a: {  	[spmem:s2] =	stream.indirect.scatter.add.f32 [tilespmem:s23], [sflag:$0x2], $0x80, s26, s20, $0xb8;
	[tilespmem:$0x1E400] =	vst v63  }
.LBB2_3:
0x6b: {  	_ =	swait.ge [sflag:s22], $0x4000  }
0x6c: {  	[sflag:s22] =	ssyncset.done $0x0  }
0x6d: {  	[sflag:s22] =	ssyncadd.s32 $0xFFFFC000  }
0x6e: {  	_ =	swait.ge [sflag:s24], $0x4000  }
0x6f: {  	s30 =	sshra.s32 s29, $0x2;
	[sflag:s24] =	ssyncset.done $0x0  }
0x70: {  	s31 =	sadd.s32 $0x1380, s30;
	[sflag:s24] =	ssyncadd.s32 $0xFFFFC000  }
0x71: {  	[tilespmem:s23], [sflag:$0x1] =	stream.indirect.gather [hbm4b:s4+s20], $0x80, s31, s20, $0xb8;
	[tilespmem:$0x1E400] =	vst v63  }
0x72: {  	s31 =	sadd.s32 $0x2700, s30  }
0x73: {  	[spmem:s2] =	stream.indirect.scatter.add.f32 [tilespmem:s21], [sflag:$0x2], $0x80, s31, s20, $0xb8;
	[tilespmem:$0x1E400] =	vst v63  }
0x74: {  	p1 =	seq.s32 s29, $0x0;
	_ =	swait.ge [sflag:s22], $0x4000  }
.Ltmp5:
0x75: {  	[sflag:s22] =	ssyncset.done $0x0;
	(pc) =	sbr.rel @p1 .LBB2_5-.Ltmp5, $4  }
0x76: {  	[sflag:s22] =	ssyncadd.s32 $0xFFFFC000  }
0x77: {  	_ =	swait.ge [sflag:s24], $0x4000  }
0x78: {  	[sflag:s24] =	ssyncset.done $0x0  }
0x79: {  	s31 =	sadd.s32 $0x2780, s30;
	[sflag:s24] =	ssyncadd.s32 $0xFFFFC000  }
.Ltmp6:
0x7a: {  	(pc) =	sbr.rel .LBB2_3-.Ltmp6, $4  }
0x7b: {  	s30 =	sadd.s32 $0x1400, s30  }
0x7c: {  	[tilespmem:s21], [sflag:$0x1] =	stream.indirect.gather [hbm4b:s4+s20], $0x80, s30, s20, $0xb8;
	[tilespmem:$0x1E400] =	vst v63  }
0x7d: {  	s29 =	sadd.s32 $0x400, s29  }
0x7e: {  	[spmem:s2] =	stream.indirect.scatter.add.f32 [tilespmem:s23], [sflag:$0x2], $0x80, s31, s20, $0xb8;
	[tilespmem:$0x1E400] =	vst v63  }
.LBB2_14:
.Ltmp7:
0x7f: {  	(pc) =	sbr.rel .LBB2_16-.Ltmp7, $2  }
0x80: {  	_ =	sdelay $0x2  }
0x81: {  	s29 =	sadd.s32 $0x4E00, s29  }
.LBB2_5:
0x82: {  	[spmem:s2] =	stream.indirect.scatter.add.f32 [tilespmem:s23], [sflag:$0x2], $0x80, s31, s20, $0xb8;
	[tilespmem:$0x1E400] =	vst v63  }
0x83: {  	_ =	swait.ge [sflag:s24], $0x4000  }
0x84: {  	[sflag:s24] =	ssyncset.done $0x0  }
0x85: {  	[sflag:s24] =	ssyncadd.s32 $0xFFFFC000  }
0x86: {  	[tilespmem:s3], [sflag:$0x3] =	stream.linear.gather [hbm4b:s9+s3], $0x1400, $0x38;
	[tilespmem:$0x1E400] =	vst v63  }
0x87: {  	_ =	swait.ge [sflag:s18], $0x1400  }
0x88: {  	[sflag:s18] =	ssyncset.done $0x0  }
0x89: {  	[sflag:s18] =	ssyncadd.s32 $0xFFFFEC00  }
0x8a: {  	[tilespmem:s19], [sflag:$0x3] =	stream.linear.gather [hbm4b:s10+s3], $0x1400, $0x38;
	[tilespmem:$0x1E400] =	vst v63  }
0x8b: {  	_ =	swait.ge [sflag:s18], $0x1400  }
0x8c: {  	[sflag:s18] =	ssyncset.done $0x0  }
0x8d: {  	[sflag:s18] =	ssyncadd.s32 $0xFFFFEC00  }
0x8e: {  	[tilespmem:s21], [sflag:$0x1] =	stream.indirect.gather [hbm4b:s4+s20], $0x80, s3, s20, $0xb8;
	[tilespmem:$0x1E400] =	vst v63  }
0x8f: {  	_ =	swait.ge [sflag:s22], $0x4000  }
0x90: {  	[sflag:s22] =	ssyncset.done $0x0  }
0x91: {  	[sflag:s22] =	ssyncadd.s32 $0xFFFFC000  }
0x92: {  	[tilespmem:s23], [sflag:$0x1] =	stream.indirect.gather [hbm4b:s4+s20], $0x80, s20, s20, $0xb8;
	[tilespmem:$0x1E400] =	vst v63  }
0x93: {  	_ = 	snop  }
0x94: {  	[spmem:s2] =	stream.indirect.scatter.add.f32 [tilespmem:s21], [sflag:$0x2], $0x80, s19, s20, $0xb8;
	[tilespmem:$0x1E400] =	vst v63  }
0x95: {  	_ =	swait.ge [sflag:s22], $0x4000  }
0x96: {  	[sflag:s22] =	ssyncset.done $0x0  }
0x97: {  	[sflag:s22] =	ssyncadd.s32 $0xFFFFC000  }
0x98: {  	_ =	swait.ge [sflag:s24], $0x4000  }
0x99: {  	[sflag:s24] =	ssyncset.done $0x0  }
0x9a: {  	[sflag:s24] =	ssyncadd.s32 $0xFFFFC000  }
0x9b: {  	[tilespmem:s21], [sflag:$0x1] =	stream.indirect.gather [hbm4b:s4+s20], $0x80, s25, s20, $0xb8;
	[tilespmem:$0x1E400] =	vst v63  }
0x9c: {  	s29 =	simm.s32 $0xFFFFB800  }
0x9d: {  	[spmem:s2] =	stream.indirect.scatter.add.f32 [tilespmem:s23], [sflag:$0x2], $0x80, s26, s20, $0xb8;
	[tilespmem:$0x1E400] =	vst v63  }
.LBB2_6:
0x9e: {  	_ =	swait.ge [sflag:s22], $0x4000  }
0x9f: {  	[sflag:s22] =	ssyncset.done $0x0  }
0xa0: {  	[sflag:s22] =	ssyncadd.s32 $0xFFFFC000  }
0xa1: {  	_ =	swait.ge [sflag:s24], $0x4000  }
0xa2: {  	s30 =	sshra.s32 s29, $0x2;
	[sflag:s24] =	ssyncset.done $0x0  }
0xa3: {  	s31 =	sadd.s32 $0x1380, s30;
	[sflag:s24] =	ssyncadd.s32 $0xFFFFC000  }
0xa4: {  	[tilespmem:s23], [sflag:$0x1] =	stream.indirect.gather [hbm4b:s4+s20], $0x80, s31, s20, $0xb8;
	[tilespmem:$0x1E400] =	vst v63  }
0xa5: {  	s31 =	sadd.s32 $0x2700, s30  }
0xa6: {  	[spmem:s2] =	stream.indirect.scatter.add.f32 [tilespmem:s21], [sflag:$0x2], $0x80, s31, s20, $0xb8;
	[tilespmem:$0x1E400] =	vst v63  }
0xa7: {  	p1 =	seq.s32 s29, $0x0;
	_ =	swait.ge [sflag:s22], $0x4000  }
.Ltmp8:
0xa8: {  	[sflag:s22] =	ssyncset.done $0x0;
	(pc) =	sbr.rel @p1 .LBB2_8-.Ltmp8, $4  }
0xa9: {  	[sflag:s22] =	ssyncadd.s32 $0xFFFFC000  }
0xaa: {  	_ =	swait.ge [sflag:s24], $0x4000  }
0xab: {  	[sflag:s24] =	ssyncset.done $0x0  }
0xac: {  	s31 =	sadd.s32 $0x2780, s30;
	[sflag:s24] =	ssyncadd.s32 $0xFFFFC000  }
.Ltmp9:
0xad: {  	(pc) =	sbr.rel .LBB2_6-.Ltmp9, $4  }
0xae: {  	s30 =	sadd.s32 $0x1400, s30  }
0xaf: {  	[tilespmem:s21], [sflag:$0x1] =	stream.indirect.gather [hbm4b:s4+s20], $0x80, s30, s20, $0xb8;
	[tilespmem:$0x1E400] =	vst v63  }
0xb0: {  	s29 =	sadd.s32 $0x400, s29  }
0xb1: {  	[spmem:s2] =	stream.indirect.scatter.add.f32 [tilespmem:s23], [sflag:$0x2], $0x80, s31, s20, $0xb8;
	[tilespmem:$0x1E400] =	vst v63  }
.LBB2_8:
0xb2: {  	[spmem:s2] =	stream.indirect.scatter.add.f32 [tilespmem:s23], [sflag:$0x2], $0x80, s31, s20, $0xb8;
	[tilespmem:$0x1E400] =	vst v63  }
0xb3: {  	_ =	swait.ge [sflag:s24], $0x4000  }
0xb4: {  	[sflag:s24] =	ssyncset.done $0x0  }
0xb5: {  	[sflag:s24] =	ssyncadd.s32 $0xFFFFC000  }
0xb6: {  	[tilespmem:s3], [sflag:$0x3] =	stream.linear.gather [hbm4b:s11+s3], $0x1400, $0x38;
	[tilespmem:$0x1E400] =	vst v63  }
0xb7: {  	_ =	swait.ge [sflag:s18], $0x1400  }
0xb8: {  	[sflag:s18] =	ssyncset.done $0x0  }
0xb9: {  	[sflag:s18] =	ssyncadd.s32 $0xFFFFEC00  }
0xba: {  	[tilespmem:s19], [sflag:$0x3] =	stream.linear.gather [hbm4b:s12+s3], $0x1400, $0x38;
	[tilespmem:$0x1E400] =	vst v63  }
0xbb: {  	_ =	swait.ge [sflag:s18], $0x1400  }
0xbc: {  	[sflag:s18] =	ssyncset.done $0x0  }
0xbd: {  	[sflag:s18] =	ssyncadd.s32 $0xFFFFEC00  }
0xbe: {  	[tilespmem:s21], [sflag:$0x1] =	stream.indirect.gather [hbm4b:s4+s20], $0x80, s3, s20, $0xb8;
	[tilespmem:$0x1E400] =	vst v63  }
0xbf: {  	_ =	swait.ge [sflag:s22], $0x4000  }
0xc0: {  	[sflag:s22] =	ssyncset.done $0x0  }
0xc1: {  	[sflag:s22] =	ssyncadd.s32 $0xFFFFC000  }
0xc2: {  	[tilespmem:s23], [sflag:$0x1] =	stream.indirect.gather [hbm4b:s4+s20], $0x80, s20, s20, $0xb8;
	[tilespmem:$0x1E400] =	vst v63  }
0xc3: {  	_ = 	snop  }
0xc4: {  	[spmem:s2] =	stream.indirect.scatter.add.f32 [tilespmem:s21], [sflag:$0x2], $0x80, s19, s20, $0xb8;
	[tilespmem:$0x1E400] =	vst v63  }
0xc5: {  	_ =	swait.ge [sflag:s22], $0x4000  }
0xc6: {  	[sflag:s22] =	ssyncset.done $0x0  }
0xc7: {  	[sflag:s22] =	ssyncadd.s32 $0xFFFFC000  }
0xc8: {  	_ =	swait.ge [sflag:s24], $0x4000  }
0xc9: {  	[sflag:s24] =	ssyncset.done $0x0  }
0xca: {  	[sflag:s24] =	ssyncadd.s32 $0xFFFFC000  }
0xcb: {  	[tilespmem:s21], [sflag:$0x1] =	stream.indirect.gather [hbm4b:s4+s20], $0x80, s25, s20, $0xb8;
	[tilespmem:$0x1E400] =	vst v63  }
0xcc: {  	s29 =	simm.s32 $0xFFFFB800  }
0xcd: {  	[spmem:s2] =	stream.indirect.scatter.add.f32 [tilespmem:s23], [sflag:$0x2], $0x80, s26, s20, $0xb8;
	[tilespmem:$0x1E400] =	vst v63  }
.LBB2_9:
0xce: {  	_ =	swait.ge [sflag:s22], $0x4000  }
0xcf: {  	[sflag:s22] =	ssyncset.done $0x0  }
0xd0: {  	[sflag:s22] =	ssyncadd.s32 $0xFFFFC000  }
0xd1: {  	_ =	swait.ge [sflag:s24], $0x4000  }
0xd2: {  	s30 =	sshra.s32 s29, $0x2;
	[sflag:s24] =	ssyncset.done $0x0  }
0xd3: {  	s31 =	sadd.s32 $0x1380, s30;
	[sflag:s24] =	ssyncadd.s32 $0xFFFFC000  }
0xd4: {  	[tilespmem:s23], [sflag:$0x1] =	stream.indirect.gather [hbm4b:s4+s20], $0x80, s31, s20, $0xb8;
	[tilespmem:$0x1E400] =	vst v63  }
0xd5: {  	s31 =	sadd.s32 $0x2700, s30  }
0xd6: {  	[spmem:s2] =	stream.indirect.scatter.add.f32 [tilespmem:s21], [sflag:$0x2], $0x80, s31, s20, $0xb8;
	[tilespmem:$0x1E400] =	vst v63  }
0xd7: {  	p1 =	seq.s32 s29, $0x0;
	_ =	swait.ge [sflag:s22], $0x4000  }
.Ltmp10:
0xd8: {  	[sflag:s22] =	ssyncset.done $0x0;
	(pc) =	sbr.rel @p1 .LBB2_15-.Ltmp10, $4  }
0xd9: {  	[sflag:s22] =	ssyncadd.s32 $0xFFFFC000  }
0xda: {  	_ =	swait.ge [sflag:s24], $0x4000  }
0xdb: {  	[sflag:s24] =	ssyncset.done $0x0  }
0xdc: {  	[sflag:s24] =	ssyncadd.s32 $0xFFFFC000  }
.Ltmp11:
0xdd: {  	(pc) =	sbr.rel .LBB2_9-.Ltmp11, $4  }
0xde: {  	s31 =	sadd.s32 $0x1400, s30  }
0xdf: {  	[tilespmem:s21], [sflag:$0x1] =	stream.indirect.gather [hbm4b:s4+s20], $0x80, s31, s20, $0xb8;
	[tilespmem:$0x1E400] =	vst v63  }
0xe0: {  	s29 =	sadd.s32 $0x400, s29;
	s31 =	sadd.s32 $0x2780, s30  }
0xe1: {  	[spmem:s2] =	stream.indirect.scatter.add.f32 [tilespmem:s23], [sflag:$0x2], $0x80, s31, s20, $0xb8;
	[tilespmem:$0x1E400] =	vst v63  }
.LBB2_17:
0xe2: {  	_ =	sfence.sel $0x180000  }
0xe3: {  	[bflag:$0x0] =	sbarrier.arrive $0xFFFF  }
0xe4: {  	p0 =	sne.s32 s1, $0x0;
	_ =	strace $0x9000004A  }
0xe5: {  	s0 =	sadd.s32 @!p0 $0x100000, s0;
	[bflag:$0x2] =	sbarrier.arrive $0xFFFF  }
0xe6: {  	[sflag:s0] =	ssyncadd.tile.s32 @!p0 $0x1;
	_ =	shalt  }
.Lfunc_end2:
_tile_overlayer_lowered:
.L_overlay_start_2:
0xe7: {  	(tag) =	ssettag $0x2  }
0xe8: {  	s0 =	rddreg [dreg:$0x0];
	s2 =	stileid.u32  }
0xe9: {  	s1 =	rddreg [dreg:$0x1];
	p0 =	sne.s32 s2, $0x0  }
0xea: {  	s3 =	rddreg [dreg:$0x2];
	[bflag:$0x3] =	sbarrier.arrive $0xFFFF;
	s2 =	simm.s32 @!p0 $0x1C03  }
0xeb: {  	[timem:s3], [sflag:s2] =	dma.local @!p0 [hbm:s0], s1  }
0xec: {  	s0 =	simm.s32 @!p0 $0x3  }
0xed: {  	_ =	swait.ge @!p0 [sflag:s0], s1  }
0xee: {  	s1 =	ssub.s32 @!p0 $0x0, s1;
	[sflag:s0] =	ssyncset.done @!p0 $0x0  }
0xef: {  	[sflag:s0] =	ssyncadd.s32 @!p0 s1  }
0xf0: {  	[bflag:$0x3] =	sbarrier.arrive $0xFFFF  }
0xf1: {  	_ =	shalt  }

</sc_bundles>
